<compile_context>
chip_gen: v7x
topology: tpu7x:2x2x1
jax: 0.10.2.dev20260603
libtpu: 0.0.44.dev20260713+nightly
codegen_flags: <defaults>
</compile_context>

<pallas_src>
import functools

import jax
import jax.numpy as jnp
from jax import lax
from jax.experimental import pallas as pl
from jax.experimental.pallas import tpu as pltpu
from jax.experimental.pallas import tpu_sc as plsc

_N = 2048
_NFEAT = 512
_NHID = 128
_NS = 64
_NY = 3
_E = 200000
_ALPHA = 0.35

_SC_CORES = 2
_SC_SUBCORES = 16
_NW = _SC_CORES * _SC_SUBCORES

_CHUNK = 128
_NCH = 49
_EPAD = _NW * _CHUNK * _NCH
_EBLK = 4096
assert _EPAD % _EBLK == 0


def _softplus(x):
    return jnp.maximum(x, 0.0) + jnp.log1p(jnp.exp(-jnp.abs(x)))


def _proj_body(x_ref, w1_ref, w2_ref, o1_ref, o2_ref):
    x = x_ref[...]
    o1_ref[...] = jnp.dot(x, w1_ref[...], preferred_element_type=jnp.float32)
    o2_ref[...] = jnp.dot(x, w2_ref[...], preferred_element_type=jnp.float32)


def _gat_body(adj_ref, wh1f_ref, wh2f_ref, wh1b_ref, wh2b_ref,
              a1s_ref, a1d_ref, a2s_ref, a2d_ref,
              Wh1_ref, bh1_ref, Wloc_ref, bloc_ref,
              WsT_ref, WsB_ref, bs_ref, We1a_ref, We1b_ref, be1_ref,
              p_ref, q_ref):
    adjb = adj_ref[...]

    def layer(whf, whb, a_src, a_dst):
        f = jnp.dot(whb, a_src, preferred_element_type=jnp.float32)
        g_t = lax.dot_general(a_dst, whf, (((0,), (1,)), ((), ())),
                              preferred_element_type=jnp.float32)
        e = f + g_t
        e = jnp.where(e >= 0, e, _ALPHA * e)
        lgt = jnp.where(adjb > 0, e, jnp.float32(-9e15))
        m = jnp.max(lgt, axis=1, keepdims=True)
        p = jnp.exp(lgt - m)
        att = p / jnp.sum(p, axis=1, keepdims=True)
        xw = jnp.dot(att, whf, preferred_element_type=jnp.float32)
        return jnp.where(xw > 0, xw, jnp.exp(xw) - 1.0)

    x1 = layer(wh1f_ref[...], wh1b_ref[...], a1s_ref[...], a1d_ref[...])
    x2 = layer(wh2f_ref[...], wh2b_ref[...], a2s_ref[...], a2d_ref[...])

    h = _softplus(jnp.dot(x2, Wh1_ref[...], preferred_element_type=jnp.float32)
                  + bh1_ref[...])
    loc = jnp.dot(h, Wloc_ref[...], preferred_element_type=jnp.float32) + bloc_ref[...]
    gv = (jnp.dot(x1, WsT_ref[...], preferred_element_type=jnp.float32)
          + jnp.dot(loc, WsB_ref[...], preferred_element_type=jnp.float32)
          + bs_ref[...])
    gv = jnp.maximum(gv, 0.0)
    p_ref[...] = (jnp.dot(gv, We1a_ref[...], preferred_element_type=jnp.float32)
                  + be1_ref[...])
    q_ref[...] = jnp.dot(gv, We1b_ref[...], preferred_element_type=jnp.float32)


def _sc_gather(p_tab, q_tab, src, dst):
    b_per_w = _EPAD // _NW
    mesh = plsc.VectorSubcoreMesh(core_axis_name="c", subcore_axis_name="s")

    @functools.partial(
        pl.kernel, mesh=mesh,
        out_type=jax.ShapeDtypeStruct((_EPAD, _NHID), jnp.float32),
        scratch_types=[
            pltpu.VMEM((_CHUNK,), jnp.int32),
            pltpu.VMEM((_CHUNK,), jnp.int32),
            pltpu.VMEM((_CHUNK,), jnp.int32),
            pltpu.VMEM((_CHUNK,), jnp.int32),
            pltpu.VMEM((_CHUNK, _NHID), jnp.float32),
            pltpu.VMEM((_CHUNK, _NHID), jnp.float32),
            pltpu.VMEM((_CHUNK, _NHID), jnp.float32),
            pltpu.VMEM((_CHUNK, _NHID), jnp.float32),
            pltpu.SemaphoreType.DMA,
            pltpu.SemaphoreType.DMA,
        ],
    )
    def k(p_hbm, q_hbm, src_hbm, dst_hbm, u_hbm,
          isv0, idv0, isv1, idv1, rp0, rq0, rp1, rq1, sem_g0, sem_g1):
        wid = lax.axis_index("s") * _SC_CORES + lax.axis_index("c")

        def add_rows(rp, rq):
            def row(j, carry):
                for kcol in range(_NHID // 16):
                    sl = pl.ds(kcol * 16, 16)
                    rp[j, sl] = rp[j, sl] + rq[j, sl]
                return carry
            lax.fori_loop(0, _CHUNK, row, 0)

        def off_of(c):
            return (c * _NW + wid) * _CHUNK

        def gathers(off, isv, idv, rp, rq, sem):
            pltpu.sync_copy(src_hbm.at[pl.ds(off, _CHUNK)], isv)
            pltpu.sync_copy(dst_hbm.at[pl.ds(off, _CHUNK)], idv)
            gp = pltpu.async_copy(p_hbm.at[isv], rp, sem)
            gq = pltpu.async_copy(q_hbm.at[idv], rq, sem)
            return gp, gq

        def pair(i, carry):
            off0 = off_of(2 * i)
            off1 = off_of(2 * i + 1)
            g0p, g0q = gathers(off0, isv0, idv0, rp0, rq0, sem_g0)
            g1p, g1q = gathers(off1, isv1, idv1, rp1, rq1, sem_g1)
            g0p.wait()
            g0q.wait()
            add_rows(rp0, rq0)
            pltpu.sync_copy(rp0, u_hbm.at[pl.ds(off0, _CHUNK)])
            g1p.wait()
            g1q.wait()
            add_rows(rp1, rq1)
            pltpu.sync_copy(rp1, u_hbm.at[pl.ds(off1, _CHUNK)])
            return carry

        lax.fori_loop(0, _NCH // 2, pair, 0)

        offt = off_of(_NCH - 1)
        gtp, gtq = gathers(offt, isv0, idv0, rp0, rq0, sem_g0)
        gtp.wait()
        gtq.wait()
        add_rows(rp0, rq0)
        pltpu.sync_copy(rp0, u_hbm.at[pl.ds(offt, _CHUNK)])

    return k(p_tab, q_tab, src, dst)


def _edge_body(u_ref, We2_ref, be2_ref, y_ref, e_ref):
    he = _softplus(u_ref[...])
    lgt = jnp.dot(he, We2_ref[...], preferred_element_type=jnp.float32) + be2_ref[...]
    m = jnp.max(lgt, axis=1, keepdims=True)
    p = jnp.exp(lgt - m)
    y = p / jnp.sum(p, axis=1, keepdims=True)
    y_ref[...] = y
    mx = jnp.max(y, axis=1, keepdims=True)
    c0 = (y[:, 0:1] == mx).astype(jnp.float32)
    c1 = (y[:, 1:2] == mx).astype(jnp.float32) * (1.0 - c0)
    c2 = (y[:, 2:3] == mx).astype(jnp.float32) * (1.0 - c0) * (1.0 - c1)
    e_ref[...] = jnp.concatenate([c0, c1, c2], axis=1)


def kernel(XRNA, adj, train_ids, gat1_W, gat1_a, gat2_W, gat2_a, Wh1, bh1,
           Wloc, bloc, Ws, bs, We1, be1, We2, be2):
    f32 = jnp.float32

    wh1g, wh2g = pl.pallas_call(
        _proj_body,
        out_shape=(jax.ShapeDtypeStruct((_N, _NHID), f32),
                   jax.ShapeDtypeStruct((_N, _NHID), f32)),
    )(XRNA, gat1_W, gat2_W)

    R = 256
    full = lambda shape: pl.BlockSpec(shape, lambda i: (0, 0))
    blk = lambda shape: pl.BlockSpec(shape, lambda i: (i, 0))
    p_tab, q_tab = pl.pallas_call(
        _gat_body,
        grid=(_N // R,),
        in_specs=[
            blk((R, _N)),
            full((_N, _NHID)),
            full((_N, _NHID)),
            blk((R, _NHID)),
            blk((R, _NHID)),
            full((_NHID, 1)), full((_NHID, 1)),
            full((_NHID, 1)), full((_NHID, 1)),
            full((_NHID, _NHID)), full((1, _NHID)),
            full((_NHID, _NS)), full((1, _NS)),
            full((_NHID, _NS)), full((_NS, _NS)), full((1, _NS)),
            full((_NS, _NHID)), full((_NS, _NHID)), full((1, _NHID)),
        ],
        out_specs=(blk((R, _NHID)), blk((R, _NHID))),
        out_shape=(jax.ShapeDtypeStruct((_N, _NHID), f32),
                   jax.ShapeDtypeStruct((_N, _NHID), f32)),
    )(adj, wh1g, wh2g, wh1g, wh2g,
      gat1_a[:_NHID], gat1_a[_NHID:], gat2_a[:_NHID], gat2_a[_NHID:],
      Wh1, bh1.reshape(1, _NHID), Wloc, bloc.reshape(1, _NS),
      Ws[:_NHID], Ws[_NHID:], bs.reshape(1, _NS),
      We1[:_NS], We1[_NS:], be1.reshape(1, _NHID))

    pad = jnp.zeros((_EPAD - _E,), jnp.int32)
    src = jnp.concatenate([train_ids[:, 0], pad])
    dst = jnp.concatenate([train_ids[:, 1], pad])
    xu = _sc_gather(p_tab, q_tab, src, dst)

    eb = lambda w: pl.BlockSpec((_EBLK, w), lambda i: (i, 0))
    y_pad, e_pad = pl.pallas_call(
        _edge_body,
        grid=(_EPAD // _EBLK,),
        in_specs=[
            eb(_NHID),
            full((_NHID, _NY)), full((1, _NY)),
        ],
        out_specs=(eb(_NY), eb(_NY)),
        out_shape=(jax.ShapeDtypeStruct((_EPAD, _NY), f32),
                   jax.ShapeDtypeStruct((_EPAD, _NY), f32)),
    )(xu, We2, be2.reshape(1, _NY))

    return (e_pad[:_E], y_pad[:_E])

# --- scband reference (transcript-rebuilt; emitter-appended) ---
"""Pipeline reference for scband-prism-up-14010183319958 (READ-ONLY COPY).

The authoritative reference and input builder live on the scoring server;
editing this copy changes nothing except your own understanding.
"""

import jax, jax.numpy as jnp
import numpy as np

N = 2048
NFEAT = 512
NHID = 128
NS = 64
NY = 3
E = 200000
ALPHA = 0.35


def setup_inputs(seed: int = 0):
    key = jax.random.key(seed)
    ks = jax.random.split(key, 20)

    def w(k, shape, fan_in):
        return jax.random.normal(k, shape, dtype=jnp.float32) / np.sqrt(fan_in)

    inp = {}
    inp["XRNA"] = jax.random.normal(ks[0], (N, NFEAT), dtype=jnp.float32)
    inp["adj"] = jax.random.uniform(ks[1], (N, N), dtype=jnp.float32)
    inp["train_ids"] = jax.random.randint(ks[2], (E, 2), 0, N, dtype=jnp.int32)
    inp["gat1_W"] = w(ks[3], (NFEAT, NHID), NFEAT)
    inp["gat1_a"] = w(ks[4], (2 * NHID, 1), 2 * NHID)
    inp["gat2_W"] = w(ks[5], (NFEAT, NHID), NFEAT)
    inp["gat2_a"] = w(ks[6], (2 * NHID, 1), 2 * NHID)
    inp["Wh1"] = w(ks[7], (NHID, NHID), NHID)
    inp["bh1"] = jnp.zeros((NHID,), dtype=jnp.float32)
    inp["Wloc"] = w(ks[8], (NHID, NS), NHID)
    inp["bloc"] = jnp.zeros((NS,), dtype=jnp.float32)
    inp["Ws"] = w(ks[9], (NHID + NS, NS), NHID + NS)
    inp["bs"] = jnp.zeros((NS,), dtype=jnp.float32)
    inp["We1"] = w(ks[10], (2 * NS, NHID), 2 * NS)
    inp["be1"] = jnp.zeros((NHID,), dtype=jnp.float32)
    inp["We2"] = w(ks[11], (NHID, NY), NHID)
    inp["be2"] = jnp.zeros((NY,), dtype=jnp.float32)
    return inp


def _gat_layer(h, adj, W, a):
    # pyGAT GraphAttentionLayer, eval mode (dropout off), concat=True -> ELU
    Wh = h @ W
    a1 = a[:NHID]
    a2 = a[NHID:]
    e = jax.nn.leaky_relu(Wh @ a1 + (Wh @ a2).T, negative_slope=ALPHA)
    att = jnp.where(adj > 0, e, jnp.float32(-9e15))
    att = jax.nn.softmax(att, axis=1)
    return jax.nn.elu(att @ Wh)


def reference(XRNA, adj, train_ids, gat1_W, gat1_a, gat2_W, gat2_a, Wh1, bh1, Wloc, bloc, Ws, bs, We1, be1, We2, be2):
    # PRISM_UP.classifier(XRNA, adj, train_ids)
    x1 = _gat_layer(XRNA, adj, gat1_W, gat1_a)          # GeneGRNEncoder
    x2 = _gat_layer(XRNA, adj, gat2_W, gat2_a)          # GeneGRNEncoder_VAE
    # encoder_GAT MLP: Linear+Softplus hidden, loc head (scale head unused here)
    h = jax.nn.softplus(x2 @ Wh1 + bh1)
    loc = h @ Wloc + bloc
    gvae = jax.nn.relu(jnp.concatenate([x1, loc], axis=1) @ Ws + bs)  # linear_s
    g1 = jnp.take(gvae, train_ids[:, 0], axis=0)
    g2 = jnp.take(gvae, train_ids[:, 1], axis=0)
    xe = jnp.concatenate([g1, g2], axis=1)
    # encoder_GRNedges MLP: Softplus hidden, Softmax output
    he = jax.nn.softplus(xe @ We1 + be1)
    y_alpha = jax.nn.softmax(he @ We2 + be2, axis=1)
    _, ind = jax.lax.top_k(y_alpha, 1)
    rows = jnp.arange(y_alpha.shape[0])[:, None]
    edge_y = jnp.zeros_like(y_alpha).at[rows, ind].set(1.0)
    return (edge_y, y_alpha)

if __name__ == "__main__":
    import jax
    _d = setup_inputs()
    print(jax.jit(kernel)(*tuple(_d.values())))

</pallas_src>

<mosaic_0001>
#map = affine_map<(d0, d1) -> (0, 0)>
#map1 = affine_map<(d0, d1) -> (0)>
module attributes {stable_mosaic.version = 14 : i64} {
  func.func @k(%arg0: i32, %arg1: i32, %arg2: memref<2048x128xf32, #tpu.memory_space<hbm>>, %arg3: memref<2048x128xf32, #tpu.memory_space<hbm>>, %arg4: memref<200704xi32, #tpu.memory_space<hbm>>, %arg5: memref<200704xi32, #tpu.memory_space<hbm>>, %arg6: memref<200704x128xf32, #tpu.memory_space<hbm>>, %arg7: memref<128xi32, #tpu.memory_space<vmem>>, %arg8: memref<128xi32, #tpu.memory_space<vmem>>, %arg9: memref<128xi32, #tpu.memory_space<vmem>>, %arg10: memref<128xi32, #tpu.memory_space<vmem>>, %arg11: memref<128x128xf32, #tpu.memory_space<vmem>>, %arg12: memref<128x128xf32, #tpu.memory_space<vmem>>, %arg13: memref<128x128xf32, #tpu.memory_space<vmem>>, %arg14: memref<128x128xf32, #tpu.memory_space<vmem>>, %arg15: memref<!tpu.dma_semaphore, #tpu.memory_space<semaphore_mem>>, %arg16: memref<!tpu.dma_semaphore, #tpu.memory_space<semaphore_mem>>) attributes {dimension_semantics = [#tpu.dimension_semantics<core_parallel>, #tpu.dimension_semantics<subcore_parallel>], iteration_bounds = array<i64: 2, 16>, scalar_prefetch = 0 : i64, scratch_operands = 10 : i64, tpu.core_type = #tpu.core_type<sc_vector_subcore>, window_params = [{transform_indices = #map}, {transform_indices = #map}, {transform_indices = #map1}, {transform_indices = #map1}, {transform_indices = #map}]} {
    %mul3A = arith.constant 2 : i32
    %mul3A_0 = arith.muli %arg1, %mul3A : i32
    %add3A = arith.addi %mul3A_0, %arg0 : i32
    %scan3A = arith.constant 0 : i32
    %scan3A_1 = arith.constant 0 : i32
    %scan3A_2 = arith.constant 24 : i32
    %scan3A_3 = arith.addi %scan3A_1, %scan3A_2 : i32
    %scan3A_4 = arith.constant 1 : i32
    scf.for %scan3A_26 = %scan3A_1 to %scan3A_3 step %scan3A_4  : i32 {
      %mul3A_27 = arith.constant 2 : i32
      %mul3A_28 = arith.muli %mul3A_27, %scan3A_26 : i32
      %mul3A_29 = arith.constant 32 : i32
      %mul3A_30 = arith.muli %mul3A_28, %mul3A_29 : i32
      %add3A_31 = arith.addi %mul3A_30, %add3A : i32
      %mul3A_32 = arith.constant 128 : i32
      %mul3A_33 = arith.muli %add3A_31, %mul3A_32 : i32
      %mul3A_34 = arith.constant 2 : i32
      %mul3A_35 = arith.muli %mul3A_34, %scan3A_26 : i32
      %add3A_36 = arith.constant 1 : i32
      %add3A_37 = arith.addi %mul3A_35, %add3A_36 : i32
      %mul3A_38 = arith.constant 32 : i32
      %mul3A_39 = arith.muli %add3A_37, %mul3A_38 : i32
      %add3A_40 = arith.addi %mul3A_39, %add3A : i32
      %mul3A_41 = arith.constant 128 : i32
      %mul3A_42 = arith.muli %add3A_40, %mul3A_41 : i32
      "tpu.region"() ({
        %run_scoped3A = tpu.sem_alloc : memref<!tpu.dma_semaphore, #tpu.memory_space<semaphore_mem>>
        %dma_start3A_79 = tpu.memref_slice %arg4[%mul3A_33] : memref<200704xi32, #tpu.memory_space<hbm>> -> memref<128xi32, #tpu.memory_space<hbm>>
        %dma_start3A_80 = tpu.memref_slice %arg4[%mul3A_33] : memref<200704xi32, #tpu.memory_space<hbm>> -> memref<128xi32, #tpu.memory_space<hbm>>
        tpu.enqueue_dma source(%dma_start3A_80 : memref<128xi32, #tpu.memory_space<hbm>>) target(%arg7 : memref<128xi32, #tpu.memory_space<vmem>>) target_semaphore(%run_scoped3A : memref<!tpu.dma_semaphore, #tpu.memory_space<semaphore_mem>>)
        %dma_wait3A_81 = tpu.memref_slice %arg4[%mul3A_33] : memref<200704xi32, #tpu.memory_space<hbm>> -> memref<128xi32, #tpu.memory_space<hbm>>
        %dma_wait3A_82 = tpu.memref_slice %arg4[%mul3A_33] : memref<200704xi32, #tpu.memory_space<hbm>> -> memref<128xi32, #tpu.memory_space<hbm>>
        tpu.wait_dma2 semaphore(%run_scoped3A : memref<!tpu.dma_semaphore, #tpu.memory_space<semaphore_mem>>) src(%dma_wait3A_82 : memref<128xi32, #tpu.memory_space<hbm>>) dst(%arg7 : memref<128xi32, #tpu.memory_space<vmem>>)
        tpu.yield
      }) : () -> ()
      "tpu.region"() ({
        %run_scoped3A = tpu.sem_alloc : memref<!tpu.dma_semaphore, #tpu.memory_space<semaphore_mem>>
        %dma_start3A_79 = tpu.memref_slice %arg5[%mul3A_33] : memref<200704xi32, #tpu.memory_space<hbm>> -> memref<128xi32, #tpu.memory_space<hbm>>
        %dma_start3A_80 = tpu.memref_slice %arg5[%mul3A_33] : memref<200704xi32, #tpu.memory_space<hbm>> -> memref<128xi32, #tpu.memory_space<hbm>>
        tpu.enqueue_dma source(%dma_start3A_80 : memref<128xi32, #tpu.memory_space<hbm>>) target(%arg8 : memref<128xi32, #tpu.memory_space<vmem>>) target_semaphore(%run_scoped3A : memref<!tpu.dma_semaphore, #tpu.memory_space<semaphore_mem>>)
        %dma_wait3A_81 = tpu.memref_slice %arg5[%mul3A_33] : memref<200704xi32, #tpu.memory_space<hbm>> -> memref<128xi32, #tpu.memory_space<hbm>>
        %dma_wait3A_82 = tpu.memref_slice %arg5[%mul3A_33] : memref<200704xi32, #tpu.memory_space<hbm>> -> memref<128xi32, #tpu.memory_space<hbm>>
        tpu.wait_dma2 semaphore(%run_scoped3A : memref<!tpu.dma_semaphore, #tpu.memory_space<semaphore_mem>>) src(%dma_wait3A_82 : memref<128xi32, #tpu.memory_space<hbm>>) dst(%arg8 : memref<128xi32, #tpu.memory_space<vmem>>)
        tpu.yield
      }) : () -> ()
      %dma_start3A_43 = arith.constant 0 : i32
      %dma_start3A_44 = arith.constant 0 : i32
      %dma_start3A_45 = tpu.memref_slice %arg2[%dma_start3A_43, %dma_start3A_44] : memref<2048x128xf32, #tpu.memory_space<hbm>> -> memref<2048x128xf32, #tpu.memory_space<hbm>>
      tpu.enqueue_indirect_dma source(%dma_start3A_45 : memref<2048x128xf32, #tpu.memory_space<hbm>>) target(%arg11 : memref<128x128xf32, #tpu.memory_space<vmem>>) offsets(%arg7 : memref<128xi32, #tpu.memory_space<vmem>>) semaphore(%arg15 : memref<!tpu.dma_semaphore, #tpu.memory_space<semaphore_mem>>)
      %dma_start3A_46 = arith.constant 0 : i32
      %dma_start3A_47 = arith.constant 0 : i32
      %dma_start3A_48 = tpu.memref_slice %arg3[%dma_start3A_46, %dma_start3A_47] : memref<2048x128xf32, #tpu.memory_space<hbm>> -> memref<2048x128xf32, #tpu.memory_space<hbm>>
      tpu.enqueue_indirect_dma source(%dma_start3A_48 : memref<2048x128xf32, #tpu.memory_space<hbm>>) target(%arg12 : memref<128x128xf32, #tpu.memory_space<vmem>>) offsets(%arg8 : memref<128xi32, #tpu.memory_space<vmem>>) semaphore(%arg15 : memref<!tpu.dma_semaphore, #tpu.memory_space<semaphore_mem>>)
      "tpu.region"() ({
        %run_scoped3A = tpu.sem_alloc : memref<!tpu.dma_semaphore, #tpu.memory_space<semaphore_mem>>
        %dma_start3A_79 = tpu.memref_slice %arg4[%mul3A_42] : memref<200704xi32, #tpu.memory_space<hbm>> -> memref<128xi32, #tpu.memory_space<hbm>>
        %dma_start3A_80 = tpu.memref_slice %arg4[%mul3A_42] : memref<200704xi32, #tpu.memory_space<hbm>> -> memref<128xi32, #tpu.memory_space<hbm>>
        tpu.enqueue_dma source(%dma_start3A_80 : memref<128xi32, #tpu.memory_space<hbm>>) target(%arg9 : memref<128xi32, #tpu.memory_space<vmem>>) target_semaphore(%run_scoped3A : memref<!tpu.dma_semaphore, #tpu.memory_space<semaphore_mem>>)
        %dma_wait3A_81 = tpu.memref_slice %arg4[%mul3A_42] : memref<200704xi32, #tpu.memory_space<hbm>> -> memref<128xi32, #tpu.memory_space<hbm>>
        %dma_wait3A_82 = tpu.memref_slice %arg4[%mul3A_42] : memref<200704xi32, #tpu.memory_space<hbm>> -> memref<128xi32, #tpu.memory_space<hbm>>
        tpu.wait_dma2 semaphore(%run_scoped3A : memref<!tpu.dma_semaphore, #tpu.memory_space<semaphore_mem>>) src(%dma_wait3A_82 : memref<128xi32, #tpu.memory_space<hbm>>) dst(%arg9 : memref<128xi32, #tpu.memory_space<vmem>>)
        tpu.yield
      }) : () -> ()
      "tpu.region"() ({
        %run_scoped3A = tpu.sem_alloc : memref<!tpu.dma_semaphore, #tpu.memory_space<semaphore_mem>>
        %dma_start3A_79 = tpu.memref_slice %arg5[%mul3A_42] : memref<200704xi32, #tpu.memory_space<hbm>> -> memref<128xi32, #tpu.memory_space<hbm>>
        %dma_start3A_80 = tpu.memref_slice %arg5[%mul3A_42] : memref<200704xi32, #tpu.memory_space<hbm>> -> memref<128xi32, #tpu.memory_space<hbm>>
        tpu.enqueue_dma source(%dma_start3A_80 : memref<128xi32, #tpu.memory_space<hbm>>) target(%arg10 : memref<128xi32, #tpu.memory_space<vmem>>) target_semaphore(%run_scoped3A : memref<!tpu.dma_semaphore, #tpu.memory_space<semaphore_mem>>)
        %dma_wait3A_81 = tpu.memref_slice %arg5[%mul3A_42] : memref<200704xi32, #tpu.memory_space<hbm>> -> memref<128xi32, #tpu.memory_space<hbm>>
        %dma_wait3A_82 = tpu.memref_slice %arg5[%mul3A_42] : memref<200704xi32, #tpu.memory_space<hbm>> -> memref<128xi32, #tpu.memory_space<hbm>>
        tpu.wait_dma2 semaphore(%run_scoped3A : memref<!tpu.dma_semaphore, #tpu.memory_space<semaphore_mem>>) src(%dma_wait3A_82 : memref<128xi32, #tpu.memory_space<hbm>>) dst(%arg10 : memref<128xi32, #tpu.memory_space<vmem>>)
        tpu.yield
      }) : () -> ()
      %dma_start3A_49 = arith.constant 0 : i32
      %dma_start3A_50 = arith.constant 0 : i32
      %dma_start3A_51 = tpu.memref_slice %arg2[%dma_start3A_49, %dma_start3A_50] : memref<2048x128xf32, #tpu.memory_space<hbm>> -> memref<2048x128xf32, #tpu.memory_space<hbm>>
      tpu.enqueue_indirect_dma source(%dma_start3A_51 : memref<2048x128xf32, #tpu.memory_space<hbm>>) target(%arg13 : memref<128x128xf32, #tpu.memory_space<vmem>>) offsets(%arg9 : memref<128xi32, #tpu.memory_space<vmem>>) semaphore(%arg16 : memref<!tpu.dma_semaphore, #tpu.memory_space<semaphore_mem>>)
      %dma_start3A_52 = arith.constant 0 : i32
      %dma_start3A_53 = arith.constant 0 : i32
      %dma_start3A_54 = tpu.memref_slice %arg3[%dma_start3A_52, %dma_start3A_53] : memref<2048x128xf32, #tpu.memory_space<hbm>> -> memref<2048x128xf32, #tpu.memory_space<hbm>>
      tpu.enqueue_indirect_dma source(%dma_start3A_54 : memref<2048x128xf32, #tpu.memory_space<hbm>>) target(%arg14 : memref<128x128xf32, #tpu.memory_space<vmem>>) offsets(%arg10 : memref<128xi32, #tpu.memory_space<vmem>>) semaphore(%arg16 : memref<!tpu.dma_semaphore, #tpu.memory_space<semaphore_mem>>)
      %dma_wait3A_55 = arith.constant 0 : i32
      %dma_wait3A_56 = arith.constant 0 : i32
      %dma_wait3A_57 = tpu.memref_slice %arg2[%dma_wait3A_55, %dma_wait3A_56] : memref<2048x128xf32, #tpu.memory_space<hbm>> -> memref<2048x128xf32, #tpu.memory_space<hbm>>
      tpu.wait_indirect_dma semaphore(%arg15 : memref<!tpu.dma_semaphore, #tpu.memory_space<semaphore_mem>>) src(%dma_wait3A_57 : memref<2048x128xf32, #tpu.memory_space<hbm>>) dst(%arg11 : memref<128x128xf32, #tpu.memory_space<vmem>>)
      %dma_wait3A_58 = arith.constant 0 : i32
      %dma_wait3A_59 = arith.constant 0 : i32
      %dma_wait3A_60 = tpu.memref_slice %arg3[%dma_wait3A_58, %dma_wait3A_59] : memref<2048x128xf32, #tpu.memory_space<hbm>> -> memref<2048x128xf32, #tpu.memory_space<hbm>>
      tpu.wait_indirect_dma semaphore(%arg15 : memref<!tpu.dma_semaphore, #tpu.memory_space<semaphore_mem>>) src(%dma_wait3A_60 : memref<2048x128xf32, #tpu.memory_space<hbm>>) dst(%arg12 : memref<128x128xf32, #tpu.memory_space<vmem>>)
      %scan3A_61 = arith.constant 0 : i32
      %scan3A_62 = arith.constant 0 : i32
      %scan3A_63 = arith.constant 128 : i32
      %scan3A_64 = arith.addi %scan3A_62, %scan3A_63 : i32
      %scan3A_65 = arith.constant 1 : i32
      scf.for %scan3A_79 = %scan3A_62 to %scan3A_64 step %scan3A_65  : i32 {
        %get3A = arith.index_cast %scan3A_79 : i32 to index
        %get3A_80 = arith.constant 0 : index
        %get3A_81 = tpu.vector_load %arg11[%get3A, %get3A_80] {strides = array<i32>} : memref<128x128xf32, #tpu.memory_space<vmem>>, vector<1x16xf32>,
        %get3A_82 = vector.shape_cast %get3A_81 : vector<1x16xf32> to vector<16xf32>
        %get3A_83 = arith.index_cast %scan3A_79 : i32 to index
        %get3A_84 = arith.constant 0 : index
        %get3A_85 = tpu.vector_load %arg12[%get3A_83, %get3A_84] {strides = array<i32>} : memref<128x128xf32, #tpu.memory_space<vmem>>, vector<1x16xf32>,
        %get3A_86 = vector.shape_cast %get3A_85 : vector<1x16xf32> to vector<16xf32>
        %add3A_87 = arith.addf %get3A_82, %get3A_86 : vector<16xf32>
        %swap3A = arith.index_cast %scan3A_79 : i32 to index
        %swap3A_88 = arith.constant 0 : index
        %swap3A_89 = tpu.vector_load %arg11[%swap3A, %swap3A_88] {strides = array<i32>} : memref<128x128xf32, #tpu.memory_space<vmem>>, vector<1x16xf32>,
        %swap3A_90 = vector.shape_cast %swap3A_89 : vector<1x16xf32> to vector<16xf32>
        %swap3A_91 = vector.shape_cast %add3A_87 : vector<16xf32> to vector<1x16xf32>
        tpu.vector_store %arg11[%swap3A, %swap3A_88], %swap3A_91 {strides = array<i32>} : memref<128x128xf32, #tpu.memory_space<vmem>>, vector<1x16xf32>,
        %get3A_92 = arith.index_cast %scan3A_79 : i32 to index
        %get3A_93 = arith.constant 16 : index
        %get3A_94 = tpu.vector_load %arg11[%get3A_92, %get3A_93] {strides = array<i32>} : memref<128x128xf32, #tpu.memory_space<vmem>>, vector<1x16xf32>,
        %get3A_95 = vector.shape_cast %get3A_94 : vector<1x16xf32> to vector<16xf32>
        %get3A_96 = arith.index_cast %scan3A_79 : i32 to index
        %get3A_97 = arith.constant 16 : index
        %get3A_98 = tpu.vector_load %arg12[%get3A_96, %get3A_97] {strides = array<i32>} : memref<128x128xf32, #tpu.memory_space<vmem>>, vector<1x16xf32>,
        %get3A_99 = vector.shape_cast %get3A_98 : vector<1x16xf32> to vector<16xf32>
        %add3A_100 = arith.addf %get3A_95, %get3A_99 : vector<16xf32>
        %swap3A_101 = arith.index_cast %scan3A_79 : i32 to index
        %swap3A_102 = arith.constant 16 : index
        %swap3A_103 = tpu.vector_load %arg11[%swap3A_101, %swap3A_102] {strides = array<i32>} : memref<128x128xf32, #tpu.memory_space<vmem>>, vector<1x16xf32>,
        %swap3A_104 = vector.shape_cast %swap3A_103 : vector<1x16xf32> to vector<16xf32>
        %swap3A_105 = vector.shape_cast %add3A_100 : vector<16xf32> to vector<1x16xf32>
        tpu.vector_store %arg11[%swap3A_101, %swap3A_102], %swap3A_105 {strides = array<i32>} : memref<128x128xf32, #tpu.memory_space<vmem>>, vector<1x16xf32>,
        %get3A_106 = arith.index_cast %scan3A_79 : i32 to index
        %get3A_107 = arith.constant 32 : index
        %get3A_108 = tpu.vector_load %arg11[%get3A_106, %get3A_107] {strides = array<i32>} : memref<128x128xf32, #tpu.memory_space<vmem>>, vector<1x16xf32>,
        %get3A_109 = vector.shape_cast %get3A_108 : vector<1x16xf32> to vector<16xf32>
        %get3A_110 = arith.index_cast %scan3A_79 : i32 to index
        %get3A_111 = arith.constant 32 : index
        %get3A_112 = tpu.vector_load %arg12[%get3A_110, %get3A_111] {strides = array<i32>} : memref<128x128xf32, #tpu.memory_space<vmem>>, vector<1x16xf32>,
        %get3A_113 = vector.shape_cast %get3A_112 : vector<1x16xf32> to vector<16xf32>
        %add3A_114 = arith.addf %get3A_109, %get3A_113 : vector<16xf32>
        %swap3A_115 = arith.index_cast %scan3A_79 : i32 to index
        %swap3A_116 = arith.constant 32 : index
        %swap3A_117 = tpu.vector_load %arg11[%swap3A_115, %swap3A_116] {strides = array<i32>} : memref<128x128xf32, #tpu.memory_space<vmem>>, vector<1x16xf32>,
        %swap3A_118 = vector.shape_cast %swap3A_117 : vector<1x16xf32> to vector<16xf32>
        %swap3A_119 = vector.shape_cast %add3A_114 : vector<16xf32> to vector<1x16xf32>
        tpu.vector_store %arg11[%swap3A_115, %swap3A_116], %swap3A_119 {strides = array<i32>} : memref<128x128xf32, #tpu.memory_space<vmem>>, vector<1x16xf32>,
        %get3A_120 = arith.index_cast %scan3A_79 : i32 to index
        %get3A_121 = arith.constant 48 : index
        %get3A_122 = tpu.vector_load %arg11[%get3A_120, %get3A_121] {strides = array<i32>} : memref<128x128xf32, #tpu.memory_space<vmem>>, vector<1x16xf32>,
        %get3A_123 = vector.shape_cast %get3A_122 : vector<1x16xf32> to vector<16xf32>
        %get3A_124 = arith.index_cast %scan3A_79 : i32 to index
        %get3A_125 = arith.constant 48 : index
        %get3A_126 = tpu.vector_load %arg12[%get3A_124, %get3A_125] {strides = array<i32>} : memref<128x128xf32, #tpu.memory_space<vmem>>, vector<1x16xf32>,
        %get3A_127 = vector.shape_cast %get3A_126 : vector<1x16xf32> to vector<16xf32>
        %add3A_128 = arith.addf %get3A_123, %get3A_127 : vector<16xf32>
        %swap3A_129 = arith.index_cast %scan3A_79 : i32 to index
        %swap3A_130 = arith.constant 48 : index
        %swap3A_131 = tpu.vector_load %arg11[%swap3A_129, %swap3A_130] {strides = array<i32>} : memref<128x128xf32, #tpu.memory_space<vmem>>, vector<1x16xf32>,
        %swap3A_132 = vector.shape_cast %swap3A_131 : vector<1x16xf32> to vector<16xf32>
        %swap3A_133 = vector.shape_cast %add3A_128 : vector<16xf32> to vector<1x16xf32>
        tpu.vector_store %arg11[%swap3A_129, %swap3A_130], %swap3A_133 {strides = array<i32>} : memref<128x128xf32, #tpu.memory_space<vmem>>, vector<1x16xf32>,
        %get3A_134 = arith.index_cast %scan3A_79 : i32 to index
        %get3A_135 = arith.constant 64 : index
        %get3A_136 = tpu.vector_load %arg11[%get3A_134, %get3A_135] {strides = array<i32>} : memref<128x128xf32, #tpu.memory_space<vmem>>, vector<1x16xf32>,
        %get3A_137 = vector.shape_cast %get3A_136 : vector<1x16xf32> to vector<16xf32>
        %get3A_138 = arith.index_cast %scan3A_79 : i32 to index
        %get3A_139 = arith.constant 64 : index
        %get3A_140 = tpu.vector_load %arg12[%get3A_138, %get3A_139] {strides = array<i32>} : memref<128x128xf32, #tpu.memory_space<vmem>>, vector<1x16xf32>,
        %get3A_141 = vector.shape_cast %get3A_140 : vector<1x16xf32> to vector<16xf32>
        %add3A_142 = arith.addf %get3A_137, %get3A_141 : vector<16xf32>
        %swap3A_143 = arith.index_cast %scan3A_79 : i32 to index
        %swap3A_144 = arith.constant 64 : index
        %swap3A_145 = tpu.vector_load %arg11[%swap3A_143, %swap3A_144] {strides = array<i32>} : memref<128x128xf32, #tpu.memory_space<vmem>>, vector<1x16xf32>,
        %swap3A_146 = vector.shape_cast %swap3A_145 : vector<1x16xf32> to vector<16xf32>
        %swap3A_147 = vector.shape_cast %add3A_142 : vector<16xf32> to vector<1x16xf32>
        tpu.vector_store %arg11[%swap3A_143, %swap3A_144], %swap3A_147 {strides = array<i32>} : memref<128x128xf32, #tpu.memory_space<vmem>>, vector<1x16xf32>,
        %get3A_148 = arith.index_cast %scan3A_79 : i32 to index
        %get3A_149 = arith.constant 80 : index
        %get3A_150 = tpu.vector_load %arg11[%get3A_148, %get3A_149] {strides = array<i32>} : memref<128x128xf32, #tpu.memory_space<vmem>>, vector<1x16xf32>,
        %get3A_151 = vector.shape_cast %get3A_150 : vector<1x16xf32> to vector<16xf32>
        %get3A_152 = arith.index_cast %scan3A_79 : i32 to index
        %get3A_153 = arith.constant 80 : index
        %get3A_154 = tpu.vector_load %arg12[%get3A_152, %get3A_153] {strides = array<i32>} : memref<128x128xf32, #tpu.memory_space<vmem>>, vector<1x16xf32>,
        %get3A_155 = vector.shape_cast %get3A_154 : vector<1x16xf32> to vector<16xf32>
        %add3A_156 = arith.addf %get3A_151, %get3A_155 : vector<16xf32>
        %swap3A_157 = arith.index_cast %scan3A_79 : i32 to index
        %swap3A_158 = arith.constant 80 : index
        %swap3A_159 = tpu.vector_load %arg11[%swap3A_157, %swap3A_158] {strides = array<i32>} : memref<128x128xf32, #tpu.memory_space<vmem>>, vector<1x16xf32>,
        %swap3A_160 = vector.shape_cast %swap3A_159 : vector<1x16xf32> to vector<16xf32>
        %swap3A_161 = vector.shape_cast %add3A_156 : vector<16xf32> to vector<1x16xf32>
        tpu.vector_store %arg11[%swap3A_157, %swap3A_158], %swap3A_161 {strides = array<i32>} : memref<128x128xf32, #tpu.memory_space<vmem>>, vector<1x16xf32>,
        %get3A_162 = arith.index_cast %scan3A_79 : i32 to index
        %get3A_163 = arith.constant 96 : index
        %get3A_164 = tpu.vector_load %arg11[%get3A_162, %get3A_163] {strides = array<i32>} : memref<128x128xf32, #tpu.memory_space<vmem>>, vector<1x16xf32>,
        %get3A_165 = vector.shape_cast %get3A_164 : vector<1x16xf32> to vector<16xf32>
        %get3A_166 = arith.index_cast %scan3A_79 : i32 to index
        %get3A_167 = arith.constant 96 : index
        %get3A_168 = tpu.vector_load %arg12[%get3A_166, %get3A_167] {strides = array<i32>} : memref<128x128xf32, #tpu.memory_space<vmem>>, vector<1x16xf32>,
        %get3A_169 = vector.shape_cast %get3A_168 : vector<1x16xf32> to vector<16xf32>
        %add3A_170 = arith.addf %get3A_165, %get3A_169 : vector<16xf32>
        %swap3A_171 = arith.index_cast %scan3A_79 : i32 to index
        %swap3A_172 = arith.constant 96 : index
        %swap3A_173 = tpu.vector_load %arg11[%swap3A_171, %swap3A_172] {strides = array<i32>} : memref<128x128xf32, #tpu.memory_space<vmem>>, vector<1x16xf32>,
        %swap3A_174 = vector.shape_cast %swap3A_173 : vector<1x16xf32> to vector<16xf32>
        %swap3A_175 = vector.shape_cast %add3A_170 : vector<16xf32> to vector<1x16xf32>
        tpu.vector_store %arg11[%swap3A_171, %swap3A_172], %swap3A_175 {strides = array<i32>} : memref<128x128xf32, #tpu.memory_space<vmem>>, vector<1x16xf32>,
        %get3A_176 = arith.index_cast %scan3A_79 : i32 to index
        %get3A_177 = arith.constant 112 : index
        %get3A_178 = tpu.vector_load %arg11[%get3A_176, %get3A_177] {strides = array<i32>} : memref<128x128xf32, #tpu.memory_space<vmem>>, vector<1x16xf32>,
        %get3A_179 = vector.shape_cast %get3A_178 : vector<1x16xf32> to vector<16xf32>
        %get3A_180 = arith.index_cast %scan3A_79 : i32 to index
        %get3A_181 = arith.constant 112 : index
        %get3A_182 = tpu.vector_load %arg12[%get3A_180, %get3A_181] {strides = array<i32>} : memref<128x128xf32, #tpu.memory_space<vmem>>, vector<1x16xf32>,
        %get3A_183 = vector.shape_cast %get3A_182 : vector<1x16xf32> to vector<16xf32>
        %add3A_184 = arith.addf %get3A_179, %get3A_183 : vector<16xf32>
        %swap3A_185 = arith.index_cast %scan3A_79 : i32 to index
        %swap3A_186 = arith.constant 112 : index
        %swap3A_187 = tpu.vector_load %arg11[%swap3A_185, %swap3A_186] {strides = array<i32>} : memref<128x128xf32, #tpu.memory_space<vmem>>, vector<1x16xf32>,
        %swap3A_188 = vector.shape_cast %swap3A_187 : vector<1x16xf32> to vector<16xf32>
        %swap3A_189 = vector.shape_cast %add3A_184 : vector<16xf32> to vector<1x16xf32>
        tpu.vector_store %arg11[%swap3A_185, %swap3A_186], %swap3A_189 {strides = array<i32>} : memref<128x128xf32, #tpu.memory_space<vmem>>, vector<1x16xf32>,
      }
      %scan3A_66 = arith.constant 128 : i32
      "tpu.region"() ({
        %run_scoped3A = tpu.sem_alloc : memref<!tpu.dma_semaphore, #tpu.memory_space<semaphore_mem>>
        %dma_start3A_79 = arith.constant 0 : i32
        %dma_start3A_80 = tpu.memref_slice %arg6[%mul3A_33, %dma_start3A_79] : memref<200704x128xf32, #tpu.memory_space<hbm>> -> memref<128x128xf32, #tpu.memory_space<hbm>>
        %dma_start3A_81 = arith.constant 0 : i32
        %dma_start3A_82 = tpu.memref_slice %arg6[%mul3A_33, %dma_start3A_81] : memref<200704x128xf32, #tpu.memory_space<hbm>> -> memref<128x128xf32, #tpu.memory_space<hbm>>
        tpu.enqueue_dma source(%arg11 : memref<128x128xf32, #tpu.memory_space<vmem>>) target(%dma_start3A_82 : memref<128x128xf32, #tpu.memory_space<hbm>>) target_semaphore(%run_scoped3A : memref<!tpu.dma_semaphore, #tpu.memory_space<semaphore_mem>>)
        %dma_wait3A_83 = arith.constant 0 : i32
        %dma_wait3A_84 = tpu.memref_slice %arg6[%mul3A_33, %dma_wait3A_83] : memref<200704x128xf32, #tpu.memory_space<hbm>> -> memref<128x128xf32, #tpu.memory_space<hbm>>
        %dma_wait3A_85 = arith.constant 0 : i32
        %dma_wait3A_86 = tpu.memref_slice %arg6[%mul3A_33, %dma_wait3A_85] : memref<200704x128xf32, #tpu.memory_space<hbm>> -> memref<128x128xf32, #tpu.memory_space<hbm>>
        tpu.wait_dma2 semaphore(%run_scoped3A : memref<!tpu.dma_semaphore, #tpu.memory_space<semaphore_mem>>) src(%arg11 : memref<128x128xf32, #tpu.memory_space<vmem>>) dst(%dma_wait3A_86 : memref<128x128xf32, #tpu.memory_space<hbm>>)
        tpu.yield
      }) : () -> ()
      %dma_wait3A_67 = arith.constant 0 : i32
      %dma_wait3A_68 = arith.constant 0 : i32
      %dma_wait3A_69 = tpu.memref_slice %arg2[%dma_wait3A_67, %dma_wait3A_68] : memref<2048x128xf32, #tpu.memory_space<hbm>> -> memref<2048x128xf32, #tpu.memory_space<hbm>>
      tpu.wait_indirect_dma semaphore(%arg16 : memref<!tpu.dma_semaphore, #tpu.memory_space<semaphore_mem>>) src(%dma_wait3A_69 : memref<2048x128xf32, #tpu.memory_space<hbm>>) dst(%arg13 : memref<128x128xf32, #tpu.memory_space<vmem>>)
      %dma_wait3A_70 = arith.constant 0 : i32
      %dma_wait3A_71 = arith.constant 0 : i32
      %dma_wait3A_72 = tpu.memref_slice %arg3[%dma_wait3A_70, %dma_wait3A_71] : memref<2048x128xf32, #tpu.memory_space<hbm>> -> memref<2048x128xf32, #tpu.memory_space<hbm>>
      tpu.wait_indirect_dma semaphore(%arg16 : memref<!tpu.dma_semaphore, #tpu.memory_space<semaphore_mem>>) src(%dma_wait3A_72 : memref<2048x128xf32, #tpu.memory_space<hbm>>) dst(%arg14 : memref<128x128xf32, #tpu.memory_space<vmem>>)
      %scan3A_73 = arith.constant 0 : i32
      %scan3A_74 = arith.constant 0 : i32
      %scan3A_75 = arith.constant 128 : i32
      %scan3A_76 = arith.addi %scan3A_74, %scan3A_75 : i32
      %scan3A_77 = arith.constant 1 : i32
      scf.for %scan3A_79 = %scan3A_74 to %scan3A_76 step %scan3A_77  : i32 {
        %get3A = arith.index_cast %scan3A_79 : i32 to index
        %get3A_80 = arith.constant 0 : index
        %get3A_81 = tpu.vector_load %arg13[%get3A, %get3A_80] {strides = array<i32>} : memref<128x128xf32, #tpu.memory_space<vmem>>, vector<1x16xf32>,
        %get3A_82 = vector.shape_cast %get3A_81 : vector<1x16xf32> to vector<16xf32>
        %get3A_83 = arith.index_cast %scan3A_79 : i32 to index
        %get3A_84 = arith.constant 0 : index
        %get3A_85 = tpu.vector_load %arg14[%get3A_83, %get3A_84] {strides = array<i32>} : memref<128x128xf32, #tpu.memory_space<vmem>>, vector<1x16xf32>,
        %get3A_86 = vector.shape_cast %get3A_85 : vector<1x16xf32> to vector<16xf32>
        %add3A_87 = arith.addf %get3A_82, %get3A_86 : vector<16xf32>
        %swap3A = arith.index_cast %scan3A_79 : i32 to index
        %swap3A_88 = arith.constant 0 : index
        %swap3A_89 = tpu.vector_load %arg13[%swap3A, %swap3A_88] {strides = array<i32>} : memref<128x128xf32, #tpu.memory_space<vmem>>, vector<1x16xf32>,
        %swap3A_90 = vector.shape_cast %swap3A_89 : vector<1x16xf32> to vector<16xf32>
        %swap3A_91 = vector.shape_cast %add3A_87 : vector<16xf32> to vector<1x16xf32>
        tpu.vector_store %arg13[%swap3A, %swap3A_88], %swap3A_91 {strides = array<i32>} : memref<128x128xf32, #tpu.memory_space<vmem>>, vector<1x16xf32>,
        %get3A_92 = arith.index_cast %scan3A_79 : i32 to index
        %get3A_93 = arith.constant 16 : index
        %get3A_94 = tpu.vector_load %arg13[%get3A_92, %get3A_93] {strides = array<i32>} : memref<128x128xf32, #tpu.memory_space<vmem>>, vector<1x16xf32>,
        %get3A_95 = vector.shape_cast %get3A_94 : vector<1x16xf32> to vector<16xf32>
        %get3A_96 = arith.index_cast %scan3A_79 : i32 to index
        %get3A_97 = arith.constant 16 : index
        %get3A_98 = tpu.vector_load %arg14[%get3A_96, %get3A_97] {strides = array<i32>} : memref<128x128xf32, #tpu.memory_space<vmem>>, vector<1x16xf32>,
        %get3A_99 = vector.shape_cast %get3A_98 : vector<1x16xf32> to vector<16xf32>
        %add3A_100 = arith.addf %get3A_95, %get3A_99 : vector<16xf32>
        %swap3A_101 = arith.index_cast %scan3A_79 : i32 to index
        %swap3A_102 = arith.constant 16 : index
        %swap3A_103 = tpu.vector_load %arg13[%swap3A_101, %swap3A_102] {strides = array<i32>} : memref<128x128xf32, #tpu.memory_space<vmem>>, vector<1x16xf32>,
        %swap3A_104 = vector.shape_cast %swap3A_103 : vector<1x16xf32> to vector<16xf32>
        %swap3A_105 = vector.shape_cast %add3A_100 : vector<16xf32> to vector<1x16xf32>
        tpu.vector_store %arg13[%swap3A_101, %swap3A_102], %swap3A_105 {strides = array<i32>} : memref<128x128xf32, #tpu.memory_space<vmem>>, vector<1x16xf32>,
        %get3A_106 = arith.index_cast %scan3A_79 : i32 to index
        %get3A_107 = arith.constant 32 : index
        %get3A_108 = tpu.vector_load %arg13[%get3A_106, %get3A_107] {strides = array<i32>} : memref<128x128xf32, #tpu.memory_space<vmem>>, vector<1x16xf32>,
        %get3A_109 = vector.shape_cast %get3A_108 : vector<1x16xf32> to vector<16xf32>
        %get3A_110 = arith.index_cast %scan3A_79 : i32 to index
        %get3A_111 = arith.constant 32 : index
        %get3A_112 = tpu.vector_load %arg14[%get3A_110, %get3A_111] {strides = array<i32>} : memref<128x128xf32, #tpu.memory_space<vmem>>, vector<1x16xf32>,
        %get3A_113 = vector.shape_cast %get3A_112 : vector<1x16xf32> to vector<16xf32>
        %add3A_114 = arith.addf %get3A_109, %get3A_113 : vector<16xf32>
        %swap3A_115 = arith.index_cast %scan3A_79 : i32 to index
        %swap3A_116 = arith.constant 32 : index
        %swap3A_117 = tpu.vector_load %arg13[%swap3A_115, %swap3A_116] {strides = array<i32>} : memref<128x128xf32, #tpu.memory_space<vmem>>, vector<1x16xf32>,
        %swap3A_118 = vector.shape_cast %swap3A_117 : vector<1x16xf32> to vector<16xf32>
        %swap3A_119 = vector.shape_cast %add3A_114 : vector<16xf32> to vector<1x16xf32>
        tpu.vector_store %arg13[%swap3A_115, %swap3A_116], %swap3A_119 {strides = array<i32>} : memref<128x128xf32, #tpu.memory_space<vmem>>, vector<1x16xf32>,
        %get3A_120 = arith.index_cast %scan3A_79 : i32 to index
        %get3A_121 = arith.constant 48 : index
        %get3A_122 = tpu.vector_load %arg13[%get3A_120, %get3A_121] {strides = array<i32>} : memref<128x128xf32, #tpu.memory_space<vmem>>, vector<1x16xf32>,
        %get3A_123 = vector.shape_cast %get3A_122 : vector<1x16xf32> to vector<16xf32>
        %get3A_124 = arith.index_cast %scan3A_79 : i32 to index
        %get3A_125 = arith.constant 48 : index
        %get3A_126 = tpu.vector_load %arg14[%get3A_124, %get3A_125] {strides = array<i32>} : memref<128x128xf32, #tpu.memory_space<vmem>>, vector<1x16xf32>,
        %get3A_127 = vector.shape_cast %get3A_126 : vector<1x16xf32> to vector<16xf32>
        %add3A_128 = arith.addf %get3A_123, %get3A_127 : vector<16xf32>
        %swap3A_129 = arith.index_cast %scan3A_79 : i32 to index
        %swap3A_130 = arith.constant 48 : index
        %swap3A_131 = tpu.vector_load %arg13[%swap3A_129, %swap3A_130] {strides = array<i32>} : memref<128x128xf32, #tpu.memory_space<vmem>>, vector<1x16xf32>,
        %swap3A_132 = vector.shape_cast %swap3A_131 : vector<1x16xf32> to vector<16xf32>
        %swap3A_133 = vector.shape_cast %add3A_128 : vector<16xf32> to vector<1x16xf32>
        tpu.vector_store %arg13[%swap3A_129, %swap3A_130], %swap3A_133 {strides = array<i32>} : memref<128x128xf32, #tpu.memory_space<vmem>>, vector<1x16xf32>,
        %get3A_134 = arith.index_cast %scan3A_79 : i32 to index
        %get3A_135 = arith.constant 64 : index
        %get3A_136 = tpu.vector_load %arg13[%get3A_134, %get3A_135] {strides = array<i32>} : memref<128x128xf32, #tpu.memory_space<vmem>>, vector<1x16xf32>,
        %get3A_137 = vector.shape_cast %get3A_136 : vector<1x16xf32> to vector<16xf32>
        %get3A_138 = arith.index_cast %scan3A_79 : i32 to index
        %get3A_139 = arith.constant 64 : index
        %get3A_140 = tpu.vector_load %arg14[%get3A_138, %get3A_139] {strides = array<i32>} : memref<128x128xf32, #tpu.memory_space<vmem>>, vector<1x16xf32>,
        %get3A_141 = vector.shape_cast %get3A_140 : vector<1x16xf32> to vector<16xf32>
        %add3A_142 = arith.addf %get3A_137, %get3A_141 : vector<16xf32>
        %swap3A_143 = arith.index_cast %scan3A_79 : i32 to index
        %swap3A_144 = arith.constant 64 : index
        %swap3A_145 = tpu.vector_load %arg13[%swap3A_143, %swap3A_144] {strides = array<i32>} : memref<128x128xf32, #tpu.memory_space<vmem>>, vector<1x16xf32>,
        %swap3A_146 = vector.shape_cast %swap3A_145 : vector<1x16xf32> to vector<16xf32>
        %swap3A_147 = vector.shape_cast %add3A_142 : vector<16xf32> to vector<1x16xf32>
        tpu.vector_store %arg13[%swap3A_143, %swap3A_144], %swap3A_147 {strides = array<i32>} : memref<128x128xf32, #tpu.memory_space<vmem>>, vector<1x16xf32>,
        %get3A_148 = arith.index_cast %scan3A_79 : i32 to index
        %get3A_149 = arith.constant 80 : index
        %get3A_150 = tpu.vector_load %arg13[%get3A_148, %get3A_149] {strides = array<i32>} : memref<128x128xf32, #tpu.memory_space<vmem>>, vector<1x16xf32>,
        %get3A_151 = vector.shape_cast %get3A_150 : vector<1x16xf32> to vector<16xf32>
        %get3A_152 = arith.index_cast %scan3A_79 : i32 to index
        %get3A_153 = arith.constant 80 : index
        %get3A_154 = tpu.vector_load %arg14[%get3A_152, %get3A_153] {strides = array<i32>} : memref<128x128xf32, #tpu.memory_space<vmem>>, vector<1x16xf32>,
        %get3A_155 = vector.shape_cast %get3A_154 : vector<1x16xf32> to vector<16xf32>
        %add3A_156 = arith.addf %get3A_151, %get3A_155 : vector<16xf32>
        %swap3A_157 = arith.index_cast %scan3A_79 : i32 to index
        %swap3A_158 = arith.constant 80 : index
        %swap3A_159 = tpu.vector_load %arg13[%swap3A_157, %swap3A_158] {strides = array<i32>} : memref<128x128xf32, #tpu.memory_space<vmem>>, vector<1x16xf32>,
        %swap3A_160 = vector.shape_cast %swap3A_159 : vector<1x16xf32> to vector<16xf32>
        %swap3A_161 = vector.shape_cast %add3A_156 : vector<16xf32> to vector<1x16xf32>
        tpu.vector_store %arg13[%swap3A_157, %swap3A_158], %swap3A_161 {strides = array<i32>} : memref<128x128xf32, #tpu.memory_space<vmem>>, vector<1x16xf32>,
        %get3A_162 = arith.index_cast %scan3A_79 : i32 to index
        %get3A_163 = arith.constant 96 : index
        %get3A_164 = tpu.vector_load %arg13[%get3A_162, %get3A_163] {strides = array<i32>} : memref<128x128xf32, #tpu.memory_space<vmem>>, vector<1x16xf32>,
        %get3A_165 = vector.shape_cast %get3A_164 : vector<1x16xf32> to vector<16xf32>
        %get3A_166 = arith.index_cast %scan3A_79 : i32 to index
        %get3A_167 = arith.constant 96 : index
        %get3A_168 = tpu.vector_load %arg14[%get3A_166, %get3A_167] {strides = array<i32>} : memref<128x128xf32, #tpu.memory_space<vmem>>, vector<1x16xf32>,
        %get3A_169 = vector.shape_cast %get3A_168 : vector<1x16xf32> to vector<16xf32>
        %add3A_170 = arith.addf %get3A_165, %get3A_169 : vector<16xf32>
        %swap3A_171 = arith.index_cast %scan3A_79 : i32 to index
        %swap3A_172 = arith.constant 96 : index
        %swap3A_173 = tpu.vector_load %arg13[%swap3A_171, %swap3A_172] {strides = array<i32>} : memref<128x128xf32, #tpu.memory_space<vmem>>, vector<1x16xf32>,
        %swap3A_174 = vector.shape_cast %swap3A_173 : vector<1x16xf32> to vector<16xf32>
        %swap3A_175 = vector.shape_cast %add3A_170 : vector<16xf32> to vector<1x16xf32>
        tpu.vector_store %arg13[%swap3A_171, %swap3A_172], %swap3A_175 {strides = array<i32>} : memref<128x128xf32, #tpu.memory_space<vmem>>, vector<1x16xf32>,
        %get3A_176 = arith.index_cast %scan3A_79 : i32 to index
        %get3A_177 = arith.constant 112 : index
        %get3A_178 = tpu.vector_load %arg13[%get3A_176, %get3A_177] {strides = array<i32>} : memref<128x128xf32, #tpu.memory_space<vmem>>, vector<1x16xf32>,
        %get3A_179 = vector.shape_cast %get3A_178 : vector<1x16xf32> to vector<16xf32>
        %get3A_180 = arith.index_cast %scan3A_79 : i32 to index
        %get3A_181 = arith.constant 112 : index
        %get3A_182 = tpu.vector_load %arg14[%get3A_180, %get3A_181] {strides = array<i32>} : memref<128x128xf32, #tpu.memory_space<vmem>>, vector<1x16xf32>,
        %get3A_183 = vector.shape_cast %get3A_182 : vector<1x16xf32> to vector<16xf32>
        %add3A_184 = arith.addf %get3A_179, %get3A_183 : vector<16xf32>
        %swap3A_185 = arith.index_cast %scan3A_79 : i32 to index
        %swap3A_186 = arith.constant 112 : index
        %swap3A_187 = tpu.vector_load %arg13[%swap3A_185, %swap3A_186] {strides = array<i32>} : memref<128x128xf32, #tpu.memory_space<vmem>>, vector<1x16xf32>,
        %swap3A_188 = vector.shape_cast %swap3A_187 : vector<1x16xf32> to vector<16xf32>
        %swap3A_189 = vector.shape_cast %add3A_184 : vector<16xf32> to vector<1x16xf32>
        tpu.vector_store %arg13[%swap3A_185, %swap3A_186], %swap3A_189 {strides = array<i32>} : memref<128x128xf32, #tpu.memory_space<vmem>>, vector<1x16xf32>,
      }
      %scan3A_78 = arith.constant 128 : i32
      "tpu.region"() ({
        %run_scoped3A = tpu.sem_alloc : memref<!tpu.dma_semaphore, #tpu.memory_space<semaphore_mem>>
        %dma_start3A_79 = arith.constant 0 : i32
        %dma_start3A_80 = tpu.memref_slice %arg6[%mul3A_42, %dma_start3A_79] : memref<200704x128xf32, #tpu.memory_space<hbm>> -> memref<128x128xf32, #tpu.memory_space<hbm>>
        %dma_start3A_81 = arith.constant 0 : i32
        %dma_start3A_82 = tpu.memref_slice %arg6[%mul3A_42, %dma_start3A_81] : memref<200704x128xf32, #tpu.memory_space<hbm>> -> memref<128x128xf32, #tpu.memory_space<hbm>>
        tpu.enqueue_dma source(%arg13 : memref<128x128xf32, #tpu.memory_space<vmem>>) target(%dma_start3A_82 : memref<128x128xf32, #tpu.memory_space<hbm>>) target_semaphore(%run_scoped3A : memref<!tpu.dma_semaphore, #tpu.memory_space<semaphore_mem>>)
        %dma_wait3A_83 = arith.constant 0 : i32
        %dma_wait3A_84 = tpu.memref_slice %arg6[%mul3A_42, %dma_wait3A_83] : memref<200704x128xf32, #tpu.memory_space<hbm>> -> memref<128x128xf32, #tpu.memory_space<hbm>>
        %dma_wait3A_85 = arith.constant 0 : i32
        %dma_wait3A_86 = tpu.memref_slice %arg6[%mul3A_42, %dma_wait3A_85] : memref<200704x128xf32, #tpu.memory_space<hbm>> -> memref<128x128xf32, #tpu.memory_space<hbm>>
        tpu.wait_dma2 semaphore(%run_scoped3A : memref<!tpu.dma_semaphore, #tpu.memory_space<semaphore_mem>>) src(%arg13 : memref<128x128xf32, #tpu.memory_space<vmem>>) dst(%dma_wait3A_86 : memref<128x128xf32, #tpu.memory_space<hbm>>)
        tpu.yield
      }) : () -> ()
    }
    %scan3A_5 = arith.constant 24 : i32
    %add3A_6 = arith.constant 1536 : i32
    %add3A_7 = arith.addi %add3A_6, %add3A : i32
    %mul3A_8 = arith.constant 128 : i32
    %mul3A_9 = arith.muli %add3A_7, %mul3A_8 : i32
    "tpu.region"() ({
      %run_scoped3A = tpu.sem_alloc : memref<!tpu.dma_semaphore, #tpu.memory_space<semaphore_mem>>
      %dma_start3A_26 = tpu.memref_slice %arg4[%mul3A_9] : memref<200704xi32, #tpu.memory_space<hbm>> -> memref<128xi32, #tpu.memory_space<hbm>>
      %dma_start3A_27 = tpu.memref_slice %arg4[%mul3A_9] : memref<200704xi32, #tpu.memory_space<hbm>> -> memref<128xi32, #tpu.memory_space<hbm>>
      tpu.enqueue_dma source(%dma_start3A_27 : memref<128xi32, #tpu.memory_space<hbm>>) target(%arg7 : memref<128xi32, #tpu.memory_space<vmem>>) target_semaphore(%run_scoped3A : memref<!tpu.dma_semaphore, #tpu.memory_space<semaphore_mem>>)
      %dma_wait3A_28 = tpu.memref_slice %arg4[%mul3A_9] : memref<200704xi32, #tpu.memory_space<hbm>> -> memref<128xi32, #tpu.memory_space<hbm>>
      %dma_wait3A_29 = tpu.memref_slice %arg4[%mul3A_9] : memref<200704xi32, #tpu.memory_space<hbm>> -> memref<128xi32, #tpu.memory_space<hbm>>
      tpu.wait_dma2 semaphore(%run_scoped3A : memref<!tpu.dma_semaphore, #tpu.memory_space<semaphore_mem>>) src(%dma_wait3A_29 : memref<128xi32, #tpu.memory_space<hbm>>) dst(%arg7 : memref<128xi32, #tpu.memory_space<vmem>>)
      tpu.yield
    }) : () -> ()
    "tpu.region"() ({
      %run_scoped3A = tpu.sem_alloc : memref<!tpu.dma_semaphore, #tpu.memory_space<semaphore_mem>>
      %dma_start3A_26 = tpu.memref_slice %arg5[%mul3A_9] : memref<200704xi32, #tpu.memory_space<hbm>> -> memref<128xi32, #tpu.memory_space<hbm>>
      %dma_start3A_27 = tpu.memref_slice %arg5[%mul3A_9] : memref<200704xi32, #tpu.memory_space<hbm>> -> memref<128xi32, #tpu.memory_space<hbm>>
      tpu.enqueue_dma source(%dma_start3A_27 : memref<128xi32, #tpu.memory_space<hbm>>) target(%arg8 : memref<128xi32, #tpu.memory_space<vmem>>) target_semaphore(%run_scoped3A : memref<!tpu.dma_semaphore, #tpu.memory_space<semaphore_mem>>)
      %dma_wait3A_28 = tpu.memref_slice %arg5[%mul3A_9] : memref<200704xi32, #tpu.memory_space<hbm>> -> memref<128xi32, #tpu.memory_space<hbm>>
      %dma_wait3A_29 = tpu.memref_slice %arg5[%mul3A_9] : memref<200704xi32, #tpu.memory_space<hbm>> -> memref<128xi32, #tpu.memory_space<hbm>>
      tpu.wait_dma2 semaphore(%run_scoped3A : memref<!tpu.dma_semaphore, #tpu.memory_space<semaphore_mem>>) src(%dma_wait3A_29 : memref<128xi32, #tpu.memory_space<hbm>>) dst(%arg8 : memref<128xi32, #tpu.memory_space<vmem>>)
      tpu.yield
    }) : () -> ()
    %dma_start3A = arith.constant 0 : i32
    %dma_start3A_10 = arith.constant 0 : i32
    %dma_start3A_11 = tpu.memref_slice %arg2[%dma_start3A, %dma_start3A_10] : memref<2048x128xf32, #tpu.memory_space<hbm>> -> memref<2048x128xf32, #tpu.memory_space<hbm>>
    tpu.enqueue_indirect_dma source(%dma_start3A_11 : memref<2048x128xf32, #tpu.memory_space<hbm>>) target(%arg11 : memref<128x128xf32, #tpu.memory_space<vmem>>) offsets(%arg7 : memref<128xi32, #tpu.memory_space<vmem>>) semaphore(%arg15 : memref<!tpu.dma_semaphore, #tpu.memory_space<semaphore_mem>>)
    %dma_start3A_12 = arith.constant 0 : i32
    %dma_start3A_13 = arith.constant 0 : i32
    %dma_start3A_14 = tpu.memref_slice %arg3[%dma_start3A_12, %dma_start3A_13] : memref<2048x128xf32, #tpu.memory_space<hbm>> -> memref<2048x128xf32, #tpu.memory_space<hbm>>
    tpu.enqueue_indirect_dma source(%dma_start3A_14 : memref<2048x128xf32, #tpu.memory_space<hbm>>) target(%arg12 : memref<128x128xf32, #tpu.memory_space<vmem>>) offsets(%arg8 : memref<128xi32, #tpu.memory_space<vmem>>) semaphore(%arg15 : memref<!tpu.dma_semaphore, #tpu.memory_space<semaphore_mem>>)
    %dma_wait3A = arith.constant 0 : i32
    %dma_wait3A_15 = arith.constant 0 : i32
    %dma_wait3A_16 = tpu.memref_slice %arg2[%dma_wait3A, %dma_wait3A_15] : memref<2048x128xf32, #tpu.memory_space<hbm>> -> memref<2048x128xf32, #tpu.memory_space<hbm>>
    tpu.wait_indirect_dma semaphore(%arg15 : memref<!tpu.dma_semaphore, #tpu.memory_space<semaphore_mem>>) src(%dma_wait3A_16 : memref<2048x128xf32, #tpu.memory_space<hbm>>) dst(%arg11 : memref<128x128xf32, #tpu.memory_space<vmem>>)
    %dma_wait3A_17 = arith.constant 0 : i32
    %dma_wait3A_18 = arith.constant 0 : i32
    %dma_wait3A_19 = tpu.memref_slice %arg3[%dma_wait3A_17, %dma_wait3A_18] : memref<2048x128xf32, #tpu.memory_space<hbm>> -> memref<2048x128xf32, #tpu.memory_space<hbm>>
    tpu.wait_indirect_dma semaphore(%arg15 : memref<!tpu.dma_semaphore, #tpu.memory_space<semaphore_mem>>) src(%dma_wait3A_19 : memref<2048x128xf32, #tpu.memory_space<hbm>>) dst(%arg12 : memref<128x128xf32, #tpu.memory_space<vmem>>)
    %scan3A_20 = arith.constant 0 : i32
    %scan3A_21 = arith.constant 0 : i32
    %scan3A_22 = arith.constant 128 : i32
    %scan3A_23 = arith.addi %scan3A_21, %scan3A_22 : i32
    %scan3A_24 = arith.constant 1 : i32
    scf.for %scan3A_26 = %scan3A_21 to %scan3A_23 step %scan3A_24  : i32 {
      %get3A = arith.index_cast %scan3A_26 : i32 to index
      %get3A_27 = arith.constant 0 : index
      %get3A_28 = tpu.vector_load %arg11[%get3A, %get3A_27] {strides = array<i32>} : memref<128x128xf32, #tpu.memory_space<vmem>>, vector<1x16xf32>,
      %get3A_29 = vector.shape_cast %get3A_28 : vector<1x16xf32> to vector<16xf32>
      %get3A_30 = arith.index_cast %scan3A_26 : i32 to index
      %get3A_31 = arith.constant 0 : index
      %get3A_32 = tpu.vector_load %arg12[%get3A_30, %get3A_31] {strides = array<i32>} : memref<128x128xf32, #tpu.memory_space<vmem>>, vector<1x16xf32>,
      %get3A_33 = vector.shape_cast %get3A_32 : vector<1x16xf32> to vector<16xf32>
      %add3A_34 = arith.addf %get3A_29, %get3A_33 : vector<16xf32>
      %swap3A = arith.index_cast %scan3A_26 : i32 to index
      %swap3A_35 = arith.constant 0 : index
      %swap3A_36 = tpu.vector_load %arg11[%swap3A, %swap3A_35] {strides = array<i32>} : memref<128x128xf32, #tpu.memory_space<vmem>>, vector<1x16xf32>,
      %swap3A_37 = vector.shape_cast %swap3A_36 : vector<1x16xf32> to vector<16xf32>
      %swap3A_38 = vector.shape_cast %add3A_34 : vector<16xf32> to vector<1x16xf32>
      tpu.vector_store %arg11[%swap3A, %swap3A_35], %swap3A_38 {strides = array<i32>} : memref<128x128xf32, #tpu.memory_space<vmem>>, vector<1x16xf32>,
      %get3A_39 = arith.index_cast %scan3A_26 : i32 to index
      %get3A_40 = arith.constant 16 : index
      %get3A_41 = tpu.vector_load %arg11[%get3A_39, %get3A_40] {strides = array<i32>} : memref<128x128xf32, #tpu.memory_space<vmem>>, vector<1x16xf32>,
      %get3A_42 = vector.shape_cast %get3A_41 : vector<1x16xf32> to vector<16xf32>
      %get3A_43 = arith.index_cast %scan3A_26 : i32 to index
      %get3A_44 = arith.constant 16 : index
      %get3A_45 = tpu.vector_load %arg12[%get3A_43, %get3A_44] {strides = array<i32>} : memref<128x128xf32, #tpu.memory_space<vmem>>, vector<1x16xf32>,
      %get3A_46 = vector.shape_cast %get3A_45 : vector<1x16xf32> to vector<16xf32>
      %add3A_47 = arith.addf %get3A_42, %get3A_46 : vector<16xf32>
      %swap3A_48 = arith.index_cast %scan3A_26 : i32 to index
      %swap3A_49 = arith.constant 16 : index
      %swap3A_50 = tpu.vector_load %arg11[%swap3A_48, %swap3A_49] {strides = array<i32>} : memref<128x128xf32, #tpu.memory_space<vmem>>, vector<1x16xf32>,
      %swap3A_51 = vector.shape_cast %swap3A_50 : vector<1x16xf32> to vector<16xf32>
      %swap3A_52 = vector.shape_cast %add3A_47 : vector<16xf32> to vector<1x16xf32>
      tpu.vector_store %arg11[%swap3A_48, %swap3A_49], %swap3A_52 {strides = array<i32>} : memref<128x128xf32, #tpu.memory_space<vmem>>, vector<1x16xf32>,
      %get3A_53 = arith.index_cast %scan3A_26 : i32 to index
      %get3A_54 = arith.constant 32 : index
      %get3A_55 = tpu.vector_load %arg11[%get3A_53, %get3A_54] {strides = array<i32>} : memref<128x128xf32, #tpu.memory_space<vmem>>, vector<1x16xf32>,
      %get3A_56 = vector.shape_cast %get3A_55 : vector<1x16xf32> to vector<16xf32>
      %get3A_57 = arith.index_cast %scan3A_26 : i32 to index
      %get3A_58 = arith.constant 32 : index
      %get3A_59 = tpu.vector_load %arg12[%get3A_57, %get3A_58] {strides = array<i32>} : memref<128x128xf32, #tpu.memory_space<vmem>>, vector<1x16xf32>,
      %get3A_60 = vector.shape_cast %get3A_59 : vector<1x16xf32> to vector<16xf32>
      %add3A_61 = arith.addf %get3A_56, %get3A_60 : vector<16xf32>
      %swap3A_62 = arith.index_cast %scan3A_26 : i32 to index
      %swap3A_63 = arith.constant 32 : index
      %swap3A_64 = tpu.vector_load %arg11[%swap3A_62, %swap3A_63] {strides = array<i32>} : memref<128x128xf32, #tpu.memory_space<vmem>>, vector<1x16xf32>,
      %swap3A_65 = vector.shape_cast %swap3A_64 : vector<1x16xf32> to vector<16xf32>
      %swap3A_66 = vector.shape_cast %add3A_61 : vector<16xf32> to vector<1x16xf32>
      tpu.vector_store %arg11[%swap3A_62, %swap3A_63], %swap3A_66 {strides = array<i32>} : memref<128x128xf32, #tpu.memory_space<vmem>>, vector<1x16xf32>,
      %get3A_67 = arith.index_cast %scan3A_26 : i32 to index
      %get3A_68 = arith.constant 48 : index
      %get3A_69 = tpu.vector_load %arg11[%get3A_67, %get3A_68] {strides = array<i32>} : memref<128x128xf32, #tpu.memory_space<vmem>>, vector<1x16xf32>,
      %get3A_70 = vector.shape_cast %get3A_69 : vector<1x16xf32> to vector<16xf32>
      %get3A_71 = arith.index_cast %scan3A_26 : i32 to index
      %get3A_72 = arith.constant 48 : index
      %get3A_73 = tpu.vector_load %arg12[%get3A_71, %get3A_72] {strides = array<i32>} : memref<128x128xf32, #tpu.memory_space<vmem>>, vector<1x16xf32>,
      %get3A_74 = vector.shape_cast %get3A_73 : vector<1x16xf32> to vector<16xf32>
      %add3A_75 = arith.addf %get3A_70, %get3A_74 : vector<16xf32>
      %swap3A_76 = arith.index_cast %scan3A_26 : i32 to index
      %swap3A_77 = arith.constant 48 : index
      %swap3A_78 = tpu.vector_load %arg11[%swap3A_76, %swap3A_77] {strides = array<i32>} : memref<128x128xf32, #tpu.memory_space<vmem>>, vector<1x16xf32>,
      %swap3A_79 = vector.shape_cast %swap3A_78 : vector<1x16xf32> to vector<16xf32>
      %swap3A_80 = vector.shape_cast %add3A_75 : vector<16xf32> to vector<1x16xf32>
      tpu.vector_store %arg11[%swap3A_76, %swap3A_77], %swap3A_80 {strides = array<i32>} : memref<128x128xf32, #tpu.memory_space<vmem>>, vector<1x16xf32>,
      %get3A_81 = arith.index_cast %scan3A_26 : i32 to index
      %get3A_82 = arith.constant 64 : index
      %get3A_83 = tpu.vector_load %arg11[%get3A_81, %get3A_82] {strides = array<i32>} : memref<128x128xf32, #tpu.memory_space<vmem>>, vector<1x16xf32>,
      %get3A_84 = vector.shape_cast %get3A_83 : vector<1x16xf32> to vector<16xf32>
      %get3A_85 = arith.index_cast %scan3A_26 : i32 to index
      %get3A_86 = arith.constant 64 : index
      %get3A_87 = tpu.vector_load %arg12[%get3A_85, %get3A_86] {strides = array<i32>} : memref<128x128xf32, #tpu.memory_space<vmem>>, vector<1x16xf32>,
      %get3A_88 = vector.shape_cast %get3A_87 : vector<1x16xf32> to vector<16xf32>
      %add3A_89 = arith.addf %get3A_84, %get3A_88 : vector<16xf32>
      %swap3A_90 = arith.index_cast %scan3A_26 : i32 to index
      %swap3A_91 = arith.constant 64 : index
      %swap3A_92 = tpu.vector_load %arg11[%swap3A_90, %swap3A_91] {strides = array<i32>} : memref<128x128xf32, #tpu.memory_space<vmem>>, vector<1x16xf32>,
      %swap3A_93 = vector.shape_cast %swap3A_92 : vector<1x16xf32> to vector<16xf32>
      %swap3A_94 = vector.shape_cast %add3A_89 : vector<16xf32> to vector<1x16xf32>
      tpu.vector_store %arg11[%swap3A_90, %swap3A_91], %swap3A_94 {strides = array<i32>} : memref<128x128xf32, #tpu.memory_space<vmem>>, vector<1x16xf32>,
      %get3A_95 = arith.index_cast %scan3A_26 : i32 to index
      %get3A_96 = arith.constant 80 : index
      %get3A_97 = tpu.vector_load %arg11[%get3A_95, %get3A_96] {strides = array<i32>} : memref<128x128xf32, #tpu.memory_space<vmem>>, vector<1x16xf32>,
      %get3A_98 = vector.shape_cast %get3A_97 : vector<1x16xf32> to vector<16xf32>
      %get3A_99 = arith.index_cast %scan3A_26 : i32 to index
      %get3A_100 = arith.constant 80 : index
      %get3A_101 = tpu.vector_load %arg12[%get3A_99, %get3A_100] {strides = array<i32>} : memref<128x128xf32, #tpu.memory_space<vmem>>, vector<1x16xf32>,
      %get3A_102 = vector.shape_cast %get3A_101 : vector<1x16xf32> to vector<16xf32>
      %add3A_103 = arith.addf %get3A_98, %get3A_102 : vector<16xf32>
      %swap3A_104 = arith.index_cast %scan3A_26 : i32 to index
      %swap3A_105 = arith.constant 80 : index
      %swap3A_106 = tpu.vector_load %arg11[%swap3A_104, %swap3A_105] {strides = array<i32>} : memref<128x128xf32, #tpu.memory_space<vmem>>, vector<1x16xf32>,
      %swap3A_107 = vector.shape_cast %swap3A_106 : vector<1x16xf32> to vector<16xf32>
      %swap3A_108 = vector.shape_cast %add3A_103 : vector<16xf32> to vector<1x16xf32>
      tpu.vector_store %arg11[%swap3A_104, %swap3A_105], %swap3A_108 {strides = array<i32>} : memref<128x128xf32, #tpu.memory_space<vmem>>, vector<1x16xf32>,
      %get3A_109 = arith.index_cast %scan3A_26 : i32 to index
      %get3A_110 = arith.constant 96 : index
      %get3A_111 = tpu.vector_load %arg11[%get3A_109, %get3A_110] {strides = array<i32>} : memref<128x128xf32, #tpu.memory_space<vmem>>, vector<1x16xf32>,
      %get3A_112 = vector.shape_cast %get3A_111 : vector<1x16xf32> to vector<16xf32>
      %get3A_113 = arith.index_cast %scan3A_26 : i32 to index
      %get3A_114 = arith.constant 96 : index
      %get3A_115 = tpu.vector_load %arg12[%get3A_113, %get3A_114] {strides = array<i32>} : memref<128x128xf32, #tpu.memory_space<vmem>>, vector<1x16xf32>,
      %get3A_116 = vector.shape_cast %get3A_115 : vector<1x16xf32> to vector<16xf32>
      %add3A_117 = arith.addf %get3A_112, %get3A_116 : vector<16xf32>
      %swap3A_118 = arith.index_cast %scan3A_26 : i32 to index
      %swap3A_119 = arith.constant 96 : index
      %swap3A_120 = tpu.vector_load %arg11[%swap3A_118, %swap3A_119] {strides = array<i32>} : memref<128x128xf32, #tpu.memory_space<vmem>>, vector<1x16xf32>,
      %swap3A_121 = vector.shape_cast %swap3A_120 : vector<1x16xf32> to vector<16xf32>
      %swap3A_122 = vector.shape_cast %add3A_117 : vector<16xf32> to vector<1x16xf32>
      tpu.vector_store %arg11[%swap3A_118, %swap3A_119], %swap3A_122 {strides = array<i32>} : memref<128x128xf32, #tpu.memory_space<vmem>>, vector<1x16xf32>,
      %get3A_123 = arith.index_cast %scan3A_26 : i32 to index
      %get3A_124 = arith.constant 112 : index
      %get3A_125 = tpu.vector_load %arg11[%get3A_123, %get3A_124] {strides = array<i32>} : memref<128x128xf32, #tpu.memory_space<vmem>>, vector<1x16xf32>,
      %get3A_126 = vector.shape_cast %get3A_125 : vector<1x16xf32> to vector<16xf32>
      %get3A_127 = arith.index_cast %scan3A_26 : i32 to index
      %get3A_128 = arith.constant 112 : index
      %get3A_129 = tpu.vector_load %arg12[%get3A_127, %get3A_128] {strides = array<i32>} : memref<128x128xf32, #tpu.memory_space<vmem>>, vector<1x16xf32>,
      %get3A_130 = vector.shape_cast %get3A_129 : vector<1x16xf32> to vector<16xf32>
      %add3A_131 = arith.addf %get3A_126, %get3A_130 : vector<16xf32>
      %swap3A_132 = arith.index_cast %scan3A_26 : i32 to index
      %swap3A_133 = arith.constant 112 : index
      %swap3A_134 = tpu.vector_load %arg11[%swap3A_132, %swap3A_133] {strides = array<i32>} : memref<128x128xf32, #tpu.memory_space<vmem>>, vector<1x16xf32>,
      %swap3A_135 = vector.shape_cast %swap3A_134 : vector<1x16xf32> to vector<16xf32>
      %swap3A_136 = vector.shape_cast %add3A_131 : vector<16xf32> to vector<1x16xf32>
      tpu.vector_store %arg11[%swap3A_132, %swap3A_133], %swap3A_136 {strides = array<i32>} : memref<128x128xf32, #tpu.memory_space<vmem>>, vector<1x16xf32>,
    }
    %scan3A_25 = arith.constant 128 : i32
    "tpu.region"() ({
      %run_scoped3A = tpu.sem_alloc : memref<!tpu.dma_semaphore, #tpu.memory_space<semaphore_mem>>
      %dma_start3A_26 = arith.constant 0 : i32
      %dma_start3A_27 = tpu.memref_slice %arg6[%mul3A_9, %dma_start3A_26] : memref<200704x128xf32, #tpu.memory_space<hbm>> -> memref<128x128xf32, #tpu.memory_space<hbm>>
      %dma_start3A_28 = arith.constant 0 : i32
      %dma_start3A_29 = tpu.memref_slice %arg6[%mul3A_9, %dma_start3A_28] : memref<200704x128xf32, #tpu.memory_space<hbm>> -> memref<128x128xf32, #tpu.memory_space<hbm>>
      tpu.enqueue_dma source(%arg11 : memref<128x128xf32, #tpu.memory_space<vmem>>) target(%dma_start3A_29 : memref<128x128xf32, #tpu.memory_space<hbm>>) target_semaphore(%run_scoped3A : memref<!tpu.dma_semaphore, #tpu.memory_space<semaphore_mem>>)
      %dma_wait3A_30 = arith.constant 0 : i32
      %dma_wait3A_31 = tpu.memref_slice %arg6[%mul3A_9, %dma_wait3A_30] : memref<200704x128xf32, #tpu.memory_space<hbm>> -> memref<128x128xf32, #tpu.memory_space<hbm>>
      %dma_wait3A_32 = arith.constant 0 : i32
      %dma_wait3A_33 = tpu.memref_slice %arg6[%mul3A_9, %dma_wait3A_32] : memref<200704x128xf32, #tpu.memory_space<hbm>> -> memref<128x128xf32, #tpu.memory_space<hbm>>
      tpu.wait_dma2 semaphore(%run_scoped3A : memref<!tpu.dma_semaphore, #tpu.memory_space<semaphore_mem>>) src(%arg11 : memref<128x128xf32, #tpu.memory_space<vmem>>) dst(%dma_wait3A_33 : memref<128x128xf32, #tpu.memory_space<hbm>>)
      tpu.yield
    }) : () -> ()
    return
  }
}

module attributes {stable_mosaic.version = 14 : i64} {
  func.func @_gat_body(%arg0: i32, %arg1: memref<256x2048xf32, #tpu.memory_space<vmem>>, %arg2: memref<2048x128xf32, #tpu.memory_space<vmem>>, %arg3: memref<2048x128xf32, #tpu.memory_space<vmem>>, %arg4: memref<256x128xf32, #tpu.memory_space<vmem>>, %arg5: memref<256x128xf32, #tpu.memory_space<vmem>>, %arg6: memref<128x1xf32, #tpu.memory_space<vmem>>, %arg7: memref<128x1xf32, #tpu.memory_space<vmem>>, %arg8: memref<128x1xf32, #tpu.memory_space<vmem>>, %arg9: memref<128x1xf32, #tpu.memory_space<vmem>>, %arg10: memref<128x128xf32, #tpu.memory_space<vmem>>, %arg11: memref<1x128xf32, #tpu.memory_space<vmem>>, %arg12: memref<128x64xf32, #tpu.memory_space<vmem>>, %arg13: memref<1x64xf32, #tpu.memory_space<vmem>>, %arg14: memref<128x64xf32, #tpu.memory_space<vmem>>, %arg15: memref<64x64xf32, #tpu.memory_space<vmem>>, %arg16: memref<1x64xf32, #tpu.memory_space<vmem>>, %arg17: memref<64x128xf32, #tpu.memory_space<vmem>>, %arg18: memref<64x128xf32, #tpu.memory_space<vmem>>, %arg19: memref<1x128xf32, #tpu.memory_space<vmem>>, %arg20: memref<256x128xf32, #tpu.memory_space<vmem>>, %arg21: memref<256x128xf32, #tpu.memory_space<vmem>>) attributes {dimension_semantics = [#tpu.dimension_semantics<arbitrary>], iteration_bounds = array<i64: 8>, scalar_prefetch = 0 : i64, scratch_operands = 0 : i64, tpu.core_type = #tpu.core_type<tc>, window_params = [{transform_indices = @transform_0, window_bounds = array<i64: 256, 2048>}, {pipeline_mode = #tpu.pipeline_mode<synchronous>, transform_indices = @transform_1, window_bounds = array<i64: 2048, 128>}, {pipeline_mode = #tpu.pipeline_mode<synchronous>, transform_indices = @transform_2, window_bounds = array<i64: 2048, 128>}, {transform_indices = @transform_3, window_bounds = array<i64: 256, 128>}, {transform_indices = @transform_4, window_bounds = array<i64: 256, 128>}, {pipeline_mode = #tpu.pipeline_mode<synchronous>, transform_indices = @transform_5, window_bounds = array<i64: 128, 1>}, {pipeline_mode = #tpu.pipeline_mode<synchronous>, transform_indices = @transform_6, window_bounds = array<i64: 128, 1>}, {pipeline_mode = #tpu.pipeline_mode<synchronous>, transform_indices = @transform_7, window_bounds = array<i64: 128, 1>}, {pipeline_mode = #tpu.pipeline_mode<synchronous>, transform_indices = @transform_8, window_bounds = array<i64: 128, 1>}, {pipeline_mode = #tpu.pipeline_mode<synchronous>, transform_indices = @transform_9, window_bounds = array<i64: 128, 128>}, {pipeline_mode = #tpu.pipeline_mode<synchronous>, transform_indices = @transform_10, window_bounds = array<i64: 1, 128>}, {pipeline_mode = #tpu.pipeline_mode<synchronous>, transform_indices = @transform_11, window_bounds = array<i64: 128, 64>}, {pipeline_mode = #tpu.pipeline_mode<synchronous>, transform_indices = @transform_12, window_bounds = array<i64: 1, 64>}, {pipeline_mode = #tpu.pipeline_mode<synchronous>, transform_indices = @transform_13, window_bounds = array<i64: 128, 64>}, {pipeline_mode = #tpu.pipeline_mode<synchronous>, transform_indices = @transform_14, window_bounds = array<i64: 64, 64>}, {pipeline_mode = #tpu.pipeline_mode<synchronous>, transform_indices = @transform_15, window_bounds = array<i64: 1, 64>}, {pipeline_mode = #tpu.pipeline_mode<synchronous>, transform_indices = @transform_16, window_bounds = array<i64: 64, 128>}, {pipeline_mode = #tpu.pipeline_mode<synchronous>, transform_indices = @transform_17, window_bounds = array<i64: 64, 128>}, {pipeline_mode = #tpu.pipeline_mode<synchronous>, transform_indices = @transform_18, window_bounds = array<i64: 1, 128>}, {transform_indices = @transform_19, window_bounds = array<i64: 256, 128>}, {transform_indices = @transform_20, window_bounds = array<i64: 256, 128>}]} {
    %get3A = arith.constant 0 : index
    %get3A_0 = arith.constant 0 : index
    %get3A_1 = vector.load %arg1[%get3A, %get3A_0] : memref<256x2048xf32, #tpu.memory_space<vmem>>, vector<256x2048xf32>
    %get3A_2 = arith.constant 0 : index
    %get3A_3 = arith.constant 0 : index
    %get3A_4 = vector.load %arg2[%get3A_2, %get3A_3] : memref<2048x128xf32, #tpu.memory_space<vmem>>, vector<2048x128xf32>
    %get3A_5 = arith.constant 0 : index
    %get3A_6 = arith.constant 0 : index
    %get3A_7 = vector.load %arg4[%get3A_5, %get3A_6] : memref<256x128xf32, #tpu.memory_space<vmem>>, vector<256x128xf32>
    %get3A_8 = arith.constant 0 : index
    %get3A_9 = arith.constant 0 : index
    %get3A_10 = vector.load %arg6[%get3A_8, %get3A_9] : memref<128x1xf32, #tpu.memory_space<vmem>>, vector<128x1xf32>
    %get3A_11 = arith.constant 0 : index
    %get3A_12 = arith.constant 0 : index
    %get3A_13 = vector.load %arg7[%get3A_11, %get3A_12] : memref<128x1xf32, #tpu.memory_space<vmem>>, vector<128x1xf32>
    %dot_general3A = arith.constant dense<0.000000e+00> : vector<256x1xf32>
    %dot_general3A_14 = tpu.matmul %get3A_7, %get3A_10, %dot_general3A {dimension_numbers = #tpu.dot_dimension_numbers<[1], [0], [0], [1], [0, 0, 1, 1], [], []>, transpose_lhs_hint = false} : vector<256x128xf32>, vector<128x1xf32>, vector<256x1xf32> -> vector<256x1xf32>
    %dot_general3A_15 = arith.constant dense<0.000000e+00> : vector<1x2048xf32>
    %dot_general3A_16 = tpu.matmul %get3A_13, %get3A_4, %dot_general3A_15 {dimension_numbers = #tpu.dot_dimension_numbers<[0], [1], [1], [0], [0, 1, 1, 0], [], []>, transpose_lhs_hint = false} : vector<128x1xf32>, vector<2048x128xf32>, vector<1x2048xf32> -> vector<1x2048xf32>
    %add3A = vector.broadcast %dot_general3A_14 : vector<256x1xf32> to vector<256x2048xf32>
    %add3A_17 = vector.broadcast %dot_general3A_16 : vector<1x2048xf32> to vector<256x2048xf32>
    %add3A_18 = arith.addf %add3A, %add3A_17 : vector<256x2048xf32>
    %ge3A = arith.constant 0.000000e+00 : f32
    %ge3A_19 = vector.broadcast %ge3A : f32 to vector<256x2048xf32>
    %ge3A_20 = arith.cmpf oge, %add3A_18, %ge3A_19 : vector<256x2048xf32>
    %mul3A = arith.constant 3.500000e-01 : f32
    %mul3A_21 = vector.broadcast %mul3A : f32 to vector<256x2048xf32>
    %mul3A_22 = arith.mulf %mul3A_21, %add3A_18 : vector<256x2048xf32>
    %select_n3A = arith.select %ge3A_20, %add3A_18, %mul3A_22 : vector<256x2048xi1>, vector<256x2048xf32>
    %gt3A = arith.constant 0.000000e+00 : f32
    %gt3A_23 = vector.broadcast %gt3A : f32 to vector<256x2048xf32>
    %gt3A_24 = arith.cmpf ogt, %get3A_1, %gt3A_23 : vector<256x2048xf32>
    %jit3A = arith.constant -9.000000e+15 : f32
    %broadcast_in_dim3A = vector.broadcast %jit3A : f32 to vector<256x2048xf32>
    %select_n3A_25 = arith.select %gt3A_24, %select_n3A, %broadcast_in_dim3A : vector<256x2048xi1>, vector<256x2048xf32>
    %reduce_max3A = arith.constant dense<0xFF800000> : vector<256xf32>
    %reduce_max3A_26 = vector.multi_reduction <maximumf>, %select_n3A_25, %reduce_max3A [1] : vector<256x2048xf32> to vector<256xf32>
    %broadcast_in_dim3A_27 = vector.shape_cast %reduce_max3A_26 : vector<256xf32> to vector<256x1xf32>
    %sub3A = vector.broadcast %broadcast_in_dim3A_27 : vector<256x1xf32> to vector<256x2048xf32>
    %sub3A_28 = arith.subf %select_n3A_25, %sub3A : vector<256x2048xf32>
    %exp3A = math.exp %sub3A_28 : vector<256x2048xf32>
    %reduce_sum3A = arith.constant dense<0.000000e+00> : vector<256xf32>
    %reduce_sum3A_29 = vector.multi_reduction <add>, %exp3A, %reduce_sum3A [1] : vector<256x2048xf32> to vector<256xf32>
    %broadcast_in_dim3A_30 = vector.shape_cast %reduce_sum3A_29 : vector<256xf32> to vector<256x1xf32>
    %div3A = vector.broadcast %broadcast_in_dim3A_30 : vector<256x1xf32> to vector<256x2048xf32>
    %div3A_31 = arith.divf %exp3A, %div3A : vector<256x2048xf32>
    %dot_general3A_32 = arith.constant dense<0.000000e+00> : vector<256x128xf32>
    %dot_general3A_33 = tpu.matmul %div3A_31, %get3A_4, %dot_general3A_32 {dimension_numbers = #tpu.dot_dimension_numbers<[1], [0], [0], [1], [0, 0, 1, 1], [], []>, transpose_lhs_hint = false} : vector<256x2048xf32>, vector<2048x128xf32>, vector<256x128xf32> -> vector<256x128xf32>
    %gt3A_34 = arith.constant 0.000000e+00 : f32
    %gt3A_35 = vector.broadcast %gt3A_34 : f32 to vector<256x128xf32>
    %gt3A_36 = arith.cmpf ogt, %dot_general3A_33, %gt3A_35 : vector<256x128xf32>
    %exp3A_37 = math.exp %dot_general3A_33 : vector<256x128xf32>
    %sub3A_38 = arith.constant 1.000000e+00 : f32
    %sub3A_39 = vector.broadcast %sub3A_38 : f32 to vector<256x128xf32>
    %sub3A_40 = arith.subf %exp3A_37, %sub3A_39 : vector<256x128xf32>
    %select_n3A_41 = arith.select %gt3A_36, %dot_general3A_33, %sub3A_40 : vector<256x128xi1>, vector<256x128xf32>
    %get3A_42 = arith.constant 0 : index
    %get3A_43 = arith.constant 0 : index
    %get3A_44 = vector.load %arg3[%get3A_42, %get3A_43] : memref<2048x128xf32, #tpu.memory_space<vmem>>, vector<2048x128xf32>
    %get3A_45 = arith.constant 0 : index
    %get3A_46 = arith.constant 0 : index
    %get3A_47 = vector.load %arg5[%get3A_45, %get3A_46] : memref<256x128xf32, #tpu.memory_space<vmem>>, vector<256x128xf32>
    %get3A_48 = arith.constant 0 : index
    %get3A_49 = arith.constant 0 : index
    %get3A_50 = vector.load %arg8[%get3A_48, %get3A_49] : memref<128x1xf32, #tpu.memory_space<vmem>>, vector<128x1xf32>
    %get3A_51 = arith.constant 0 : index
    %get3A_52 = arith.constant 0 : index
    %get3A_53 = vector.load %arg9[%get3A_51, %get3A_52] : memref<128x1xf32, #tpu.memory_space<vmem>>, vector<128x1xf32>
    %dot_general3A_54 = arith.constant dense<0.000000e+00> : vector<256x1xf32>
    %dot_general3A_55 = tpu.matmul %get3A_47, %get3A_50, %dot_general3A_54 {dimension_numbers = #tpu.dot_dimension_numbers<[1], [0], [0], [1], [0, 0, 1, 1], [], []>, transpose_lhs_hint = false} : vector<256x128xf32>, vector<128x1xf32>, vector<256x1xf32> -> vector<256x1xf32>
    %dot_general3A_56 = arith.constant dense<0.000000e+00> : vector<1x2048xf32>
    %dot_general3A_57 = tpu.matmul %get3A_53, %get3A_44, %dot_general3A_56 {dimension_numbers = #tpu.dot_dimension_numbers<[0], [1], [1], [0], [0, 1, 1, 0], [], []>, transpose_lhs_hint = false} : vector<128x1xf32>, vector<2048x128xf32>, vector<1x2048xf32> -> vector<1x2048xf32>
    %add3A_58 = vector.broadcast %dot_general3A_55 : vector<256x1xf32> to vector<256x2048xf32>
    %add3A_59 = vector.broadcast %dot_general3A_57 : vector<1x2048xf32> to vector<256x2048xf32>
    %add3A_60 = arith.addf %add3A_58, %add3A_59 : vector<256x2048xf32>
    %ge3A_61 = arith.constant 0.000000e+00 : f32
    %ge3A_62 = vector.broadcast %ge3A_61 : f32 to vector<256x2048xf32>
    %ge3A_63 = arith.cmpf oge, %add3A_60, %ge3A_62 : vector<256x2048xf32>
    %mul3A_64 = arith.constant 3.500000e-01 : f32
    %mul3A_65 = vector.broadcast %mul3A_64 : f32 to vector<256x2048xf32>
    %mul3A_66 = arith.mulf %mul3A_65, %add3A_60 : vector<256x2048xf32>
    %select_n3A_67 = arith.select %ge3A_63, %add3A_60, %mul3A_66 : vector<256x2048xi1>, vector<256x2048xf32>
    %gt3A_68 = arith.constant 0.000000e+00 : f32
    %gt3A_69 = vector.broadcast %gt3A_68 : f32 to vector<256x2048xf32>
    %gt3A_70 = arith.cmpf ogt, %get3A_1, %gt3A_69 : vector<256x2048xf32>
    %jit3A_71 = arith.constant -9.000000e+15 : f32
    %broadcast_in_dim3A_72 = vector.broadcast %jit3A_71 : f32 to vector<256x2048xf32>
    %select_n3A_73 = arith.select %gt3A_70, %select_n3A_67, %broadcast_in_dim3A_72 : vector<256x2048xi1>, vector<256x2048xf32>
    %reduce_max3A_74 = arith.constant dense<0xFF800000> : vector<256xf32>
    %reduce_max3A_75 = vector.multi_reduction <maximumf>, %select_n3A_73, %reduce_max3A_74 [1] : vector<256x2048xf32> to vector<256xf32>
    %broadcast_in_dim3A_76 = vector.shape_cast %reduce_max3A_75 : vector<256xf32> to vector<256x1xf32>
    %sub3A_77 = vector.broadcast %broadcast_in_dim3A_76 : vector<256x1xf32> to vector<256x2048xf32>
    %sub3A_78 = arith.subf %select_n3A_73, %sub3A_77 : vector<256x2048xf32>
    %exp3A_79 = math.exp %sub3A_78 : vector<256x2048xf32>
    %reduce_sum3A_80 = arith.constant dense<0.000000e+00> : vector<256xf32>
    %reduce_sum3A_81 = vector.multi_reduction <add>, %exp3A_79, %reduce_sum3A_80 [1] : vector<256x2048xf32> to vector<256xf32>
    %broadcast_in_dim3A_82 = vector.shape_cast %reduce_sum3A_81 : vector<256xf32> to vector<256x1xf32>
    %div3A_83 = vector.broadcast %broadcast_in_dim3A_82 : vector<256x1xf32> to vector<256x2048xf32>
    %div3A_84 = arith.divf %exp3A_79, %div3A_83 : vector<256x2048xf32>
    %dot_general3A_85 = arith.constant dense<0.000000e+00> : vector<256x128xf32>
    %dot_general3A_86 = tpu.matmul %div3A_84, %get3A_44, %dot_general3A_85 {dimension_numbers = #tpu.dot_dimension_numbers<[1], [0], [0], [1], [0, 0, 1, 1], [], []>, transpose_lhs_hint = false} : vector<256x2048xf32>, vector<2048x128xf32>, vector<256x128xf32> -> vector<256x128xf32>
    %gt3A_87 = arith.constant 0.000000e+00 : f32
    %gt3A_88 = vector.broadcast %gt3A_87 : f32 to vector<256x128xf32>
    %gt3A_89 = arith.cmpf ogt, %dot_general3A_86, %gt3A_88 : vector<256x128xf32>
    %exp3A_90 = math.exp %dot_general3A_86 : vector<256x128xf32>
    %sub3A_91 = arith.constant 1.000000e+00 : f32
    %sub3A_92 = vector.broadcast %sub3A_91 : f32 to vector<256x128xf32>
    %sub3A_93 = arith.subf %exp3A_90, %sub3A_92 : vector<256x128xf32>
    %select_n3A_94 = arith.select %gt3A_89, %dot_general3A_86, %sub3A_93 : vector<256x128xi1>, vector<256x128xf32>
    %get3A_95 = arith.constant 0 : index
    %get3A_96 = arith.constant 0 : index
    %get3A_97 = vector.load %arg10[%get3A_95, %get3A_96] : memref<128x128xf32, #tpu.memory_space<vmem>>, vector<128x128xf32>
    %dot_general3A_98 = arith.constant dense<0.000000e+00> : vector<256x128xf32>
    %dot_general3A_99 = tpu.matmul %select_n3A_94, %get3A_97, %dot_general3A_98 {dimension_numbers = #tpu.dot_dimension_numbers<[1], [0], [0], [1], [0, 0, 1, 1], [], []>, transpose_lhs_hint = false} : vector<256x128xf32>, vector<128x128xf32>, vector<256x128xf32> -> vector<256x128xf32>
    %get3A_100 = arith.constant 0 : index
    %get3A_101 = arith.constant 0 : index
    %get3A_102 = vector.load %arg11[%get3A_100, %get3A_101] : memref<1x128xf32, #tpu.memory_space<vmem>>, vector<1x128xf32>
    %add3A_103 = vector.broadcast %get3A_102 : vector<1x128xf32> to vector<256x128xf32>
    %add3A_104 = arith.addf %dot_general3A_99, %add3A_103 : vector<256x128xf32>
    %max3A = arith.constant 0.000000e+00 : f32
    %max3A_105 = vector.broadcast %max3A : f32 to vector<256x128xf32>
    %max3A_106 = arith.maximumf %add3A_104, %max3A_105 : vector<256x128xf32>
    %abs3A = math.absf %add3A_104 : vector<256x128xf32>
    %neg3A = arith.constant 0.000000e+00 : f32
    %neg3A_107 = vector.broadcast %neg3A : f32 to vector<256x128xf32>
    %neg3A_108 = arith.subf %neg3A_107, %abs3A : vector<256x128xf32>
    %exp3A_109 = math.exp %neg3A_108 : vector<256x128xf32>
    %log1p3A = math.log1p %exp3A_109 : vector<256x128xf32>
    %add3A_110 = arith.addf %max3A_106, %log1p3A : vector<256x128xf32>
    %get3A_111 = arith.constant 0 : index
    %get3A_112 = arith.constant 0 : index
    %get3A_113 = vector.load %arg12[%get3A_111, %get3A_112] : memref<128x64xf32, #tpu.memory_space<vmem>>, vector<128x64xf32>
    %dot_general3A_114 = arith.constant dense<0.000000e+00> : vector<256x64xf32>
    %dot_general3A_115 = tpu.matmul %add3A_110, %get3A_113, %dot_general3A_114 {dimension_numbers = #tpu.dot_dimension_numbers<[1], [0], [0], [1], [0, 0, 1, 1], [], []>, transpose_lhs_hint = false} : vector<256x128xf32>, vector<128x64xf32>, vector<256x64xf32> -> vector<256x64xf32>
    %get3A_116 = arith.constant 0 : index
    %get3A_117 = arith.constant 0 : index
    %get3A_118 = vector.load %arg13[%get3A_116, %get3A_117] : memref<1x64xf32, #tpu.memory_space<vmem>>, vector<1x64xf32>
    %add3A_119 = vector.broadcast %get3A_118 : vector<1x64xf32> to vector<256x64xf32>
    %add3A_120 = arith.addf %dot_general3A_115, %add3A_119 : vector<256x64xf32>
    %get3A_121 = arith.constant 0 : index
    %get3A_122 = arith.constant 0 : index
    %get3A_123 = vector.load %arg14[%get3A_121, %get3A_122] : memref<128x64xf32, #tpu.memory_space<vmem>>, vector<128x64xf32>
    %dot_general3A_124 = arith.constant dense<0.000000e+00> : vector<256x64xf32>
    %dot_general3A_125 = tpu.matmul %select_n3A_41, %get3A_123, %dot_general3A_124 {dimension_numbers = #tpu.dot_dimension_numbers<[1], [0], [0], [1], [0, 0, 1, 1], [], []>, transpose_lhs_hint = false} : vector<256x128xf32>, vector<128x64xf32>, vector<256x64xf32> -> vector<256x64xf32>
    %get3A_126 = arith.constant 0 : index
    %get3A_127 = arith.constant 0 : index
    %get3A_128 = vector.load %arg15[%get3A_126, %get3A_127] : memref<64x64xf32, #tpu.memory_space<vmem>>, vector<64x64xf32>
    %dot_general3A_129 = arith.constant dense<0.000000e+00> : vector<256x64xf32>
    %dot_general3A_130 = tpu.matmul %add3A_120, %get3A_128, %dot_general3A_129 {dimension_numbers = #tpu.dot_dimension_numbers<[1], [0], [0], [1], [0, 0, 1, 1], [], []>, transpose_lhs_hint = false} : vector<256x64xf32>, vector<64x64xf32>, vector<256x64xf32> -> vector<256x64xf32>
    %add3A_131 = arith.addf %dot_general3A_125, %dot_general3A_130 : vector<256x64xf32>
    %get3A_132 = arith.constant 0 : index
    %get3A_133 = arith.constant 0 : index
    %get3A_134 = vector.load %arg16[%get3A_132, %get3A_133] : memref<1x64xf32, #tpu.memory_space<vmem>>, vector<1x64xf32>
    %add3A_135 = vector.broadcast %get3A_134 : vector<1x64xf32> to vector<256x64xf32>
    %add3A_136 = arith.addf %add3A_131, %add3A_135 : vector<256x64xf32>
    %max3A_137 = arith.constant 0.000000e+00 : f32
    %max3A_138 = vector.broadcast %max3A_137 : f32 to vector<256x64xf32>
    %max3A_139 = arith.maximumf %add3A_136, %max3A_138 : vector<256x64xf32>
    %get3A_140 = arith.constant 0 : index
    %get3A_141 = arith.constant 0 : index
    %get3A_142 = vector.load %arg17[%get3A_140, %get3A_141] : memref<64x128xf32, #tpu.memory_space<vmem>>, vector<64x128xf32>
    %dot_general3A_143 = arith.constant dense<0.000000e+00> : vector<256x128xf32>
    %dot_general3A_144 = tpu.matmul %max3A_139, %get3A_142, %dot_general3A_143 {dimension_numbers = #tpu.dot_dimension_numbers<[1], [0], [0], [1], [0, 0, 1, 1], [], []>, transpose_lhs_hint = false} : vector<256x64xf32>, vector<64x128xf32>, vector<256x128xf32> -> vector<256x128xf32>
    %get3A_145 = arith.constant 0 : index
    %get3A_146 = arith.constant 0 : index
    %get3A_147 = vector.load %arg19[%get3A_145, %get3A_146] : memref<1x128xf32, #tpu.memory_space<vmem>>, vector<1x128xf32>
    %add3A_148 = vector.broadcast %get3A_147 : vector<1x128xf32> to vector<256x128xf32>
    %add3A_149 = arith.addf %dot_general3A_144, %add3A_148 : vector<256x128xf32>
    %swap3A = arith.constant 0 : index
    %swap3A_150 = arith.constant 0 : index
    %swap3A_151 = vector.load %arg20[%swap3A, %swap3A_150] : memref<256x128xf32, #tpu.memory_space<vmem>>, vector<256x128xf32>
    tpu.vector_store %arg20[%swap3A, %swap3A_150], %add3A_149 {strides = array<i32>} : memref<256x128xf32, #tpu.memory_space<vmem>>, vector<256x128xf32>,
    %get3A_152 = arith.constant 0 : index
    %get3A_153 = arith.constant 0 : index
    %get3A_154 = vector.load %arg18[%get3A_152, %get3A_153] : memref<64x128xf32, #tpu.memory_space<vmem>>, vector<64x128xf32>
    %dot_general3A_155 = arith.constant dense<0.000000e+00> : vector<256x128xf32>
    %dot_general3A_156 = tpu.matmul %max3A_139, %get3A_154, %dot_general3A_155 {dimension_numbers = #tpu.dot_dimension_numbers<[1], [0], [0], [1], [0, 0, 1, 1], [], []>, transpose_lhs_hint = false} : vector<256x64xf32>, vector<64x128xf32>, vector<256x128xf32> -> vector<256x128xf32>
    %swap3A_157 = arith.constant 0 : index
    %swap3A_158 = arith.constant 0 : index
    %swap3A_159 = vector.load %arg21[%swap3A_157, %swap3A_158] : memref<256x128xf32, #tpu.memory_space<vmem>>, vector<256x128xf32>
    tpu.vector_store %arg21[%swap3A_157, %swap3A_158], %dot_general3A_156 {strides = array<i32>} : memref<256x128xf32, #tpu.memory_space<vmem>>, vector<256x128xf32>,
    return
  }
  func.func @transform_0(%arg0: i32) -> (i32, i32) {
    %c0_i32 = arith.constant 0 : i32
    %c0_i32_0 = arith.constant 0 : i32
    return %arg0, %c0_i32 : i32, i32
  }
  func.func @transform_1(%arg0: i32) -> (i32, i32) {
    %c0_i32 = arith.constant 0 : i32
    %c0_i32_0 = arith.constant 0 : i32
    %c0_i32_1 = arith.constant 0 : i32
    return %c0_i32, %c0_i32_0 : i32, i32
  }
  func.func @transform_2(%arg0: i32) -> (i32, i32) {
    %c0_i32 = arith.constant 0 : i32
    %c0_i32_0 = arith.constant 0 : i32
    %c0_i32_1 = arith.constant 0 : i32
    return %c0_i32, %c0_i32_0 : i32, i32
  }
  func.func @transform_3(%arg0: i32) -> (i32, i32) {
    %c0_i32 = arith.constant 0 : i32
    %c0_i32_0 = arith.constant 0 : i32
    return %arg0, %c0_i32 : i32, i32
  }
  func.func @transform_4(%arg0: i32) -> (i32, i32) {
    %c0_i32 = arith.constant 0 : i32
    %c0_i32_0 = arith.constant 0 : i32
    return %arg0, %c0_i32 : i32, i32
  }
  func.func @transform_5(%arg0: i32) -> (i32, i32) {
    %c0_i32 = arith.constant 0 : i32
    %c0_i32_0 = arith.constant 0 : i32
    %c0_i32_1 = arith.constant 0 : i32
    return %c0_i32, %c0_i32_0 : i32, i32
  }
  func.func @transform_6(%arg0: i32) -> (i32, i32) {
    %c0_i32 = arith.constant 0 : i32
    %c0_i32_0 = arith.constant 0 : i32
    %c0_i32_1 = arith.constant 0 : i32
    return %c0_i32, %c0_i32_0 : i32, i32
  }
  func.func @transform_7(%arg0: i32) -> (i32, i32) {
    %c0_i32 = arith.constant 0 : i32
    %c0_i32_0 = arith.constant 0 : i32
    %c0_i32_1 = arith.constant 0 : i32
    return %c0_i32, %c0_i32_0 : i32, i32
  }
  func.func @transform_8(%arg0: i32) -> (i32, i32) {
    %c0_i32 = arith.constant 0 : i32
    %c0_i32_0 = arith.constant 0 : i32
    %c0_i32_1 = arith.constant 0 : i32
    return %c0_i32, %c0_i32_0 : i32, i32
  }
  func.func @transform_9(%arg0: i32) -> (i32, i32) {
    %c0_i32 = arith.constant 0 : i32
    %c0_i32_0 = arith.constant 0 : i32
    %c0_i32_1 = arith.constant 0 : i32
    return %c0_i32, %c0_i32_0 : i32, i32
  }
  func.func @transform_10(%arg0: i32) -> (i32, i32) {
    %c0_i32 = arith.constant 0 : i32
    %c0_i32_0 = arith.constant 0 : i32
    %c0_i32_1 = arith.constant 0 : i32
    return %c0_i32, %c0_i32_0 : i32, i32
  }
  func.func @transform_11(%arg0: i32) -> (i32, i32) {
    %c0_i32 = arith.constant 0 : i32
    %c0_i32_0 = arith.constant 0 : i32
    %c0_i32_1 = arith.constant 0 : i32
    return %c0_i32, %c0_i32_0 : i32, i32
  }
  func.func @transform_12(%arg0: i32) -> (i32, i32) {
    %c0_i32 = arith.constant 0 : i32
    %c0_i32_0 = arith.constant 0 : i32
    %c0_i32_1 = arith.constant 0 : i32
    return %c0_i32, %c0_i32_0 : i32, i32
  }
  func.func @transform_13(%arg0: i32) -> (i32, i32) {
    %c0_i32 = arith.constant 0 : i32
    %c0_i32_0 = arith.constant 0 : i32
    %c0_i32_1 = arith.constant 0 : i32
    return %c0_i32, %c0_i32_0 : i32, i32
  }
  func.func @transform_14(%arg0: i32) -> (i32, i32) {
    %c0_i32 = arith.constant 0 : i32
    %c0_i32_0 = arith.constant 0 : i32
    %c0_i32_1 = arith.constant 0 : i32
    return %c0_i32, %c0_i32_0 : i32, i32
  }
  func.func @transform_15(%arg0: i32) -> (i32, i32) {
    %c0_i32 = arith.constant 0 : i32
    %c0_i32_0 = arith.constant 0 : i32
    %c0_i32_1 = arith.constant 0 : i32
    return %c0_i32, %c0_i32_0 : i32, i32
  }
  func.func @transform_16(%arg0: i32) -> (i32, i32) {
    %c0_i32 = arith.constant 0 : i32
    %c0_i32_0 = arith.constant 0 : i32
    %c0_i32_1 = arith.constant 0 : i32
    return %c0_i32, %c0_i32_0 : i32, i32
  }
  func.func @transform_17(%arg0: i32) -> (i32, i32) {
    %c0_i32 = arith.constant 0 : i32
    %c0_i32_0 = arith.constant 0 : i32
    %c0_i32_1 = arith.constant 0 : i32
    return %c0_i32, %c0_i32_0 : i32, i32
  }
  func.func @transform_18(%arg0: i32) -> (i32, i32) {
    %c0_i32 = arith.constant 0 : i32
    %c0_i32_0 = arith.constant 0 : i32
    %c0_i32_1 = arith.constant 0 : i32
    return %c0_i32, %c0_i32_0 : i32, i32
  }
  func.func @transform_19(%arg0: i32) -> (i32, i32) {
    %c0_i32 = arith.constant 0 : i32
    %c0_i32_0 = arith.constant 0 : i32
    return %arg0, %c0_i32 : i32, i32
  }
  func.func @transform_20(%arg0: i32) -> (i32, i32) {
    %c0_i32 = arith.constant 0 : i32
    %c0_i32_0 = arith.constant 0 : i32
    return %arg0, %c0_i32 : i32, i32
  }
}

module attributes {stable_mosaic.version = 14 : i64} {
  func.func @_proj_body(%arg0: memref<2048x512xf32, #tpu.memory_space<vmem>>, %arg1: memref<512x128xf32, #tpu.memory_space<vmem>>, %arg2: memref<512x128xf32, #tpu.memory_space<vmem>>, %arg3: memref<2048x128xf32, #tpu.memory_space<vmem>>, %arg4: memref<2048x128xf32, #tpu.memory_space<vmem>>) attributes {dimension_semantics = [], scalar_prefetch = 0 : i64, scratch_operands = 0 : i64, tpu.core_type = #tpu.core_type<tc>} {
    %get3A = arith.constant 0 : index
    %get3A_0 = arith.constant 0 : index
    %get3A_1 = vector.load %arg0[%get3A, %get3A_0] : memref<2048x512xf32, #tpu.memory_space<vmem>>, vector<2048x512xf32>
    %get3A_2 = arith.constant 0 : index
    %get3A_3 = arith.constant 0 : index
    %get3A_4 = vector.load %arg1[%get3A_2, %get3A_3] : memref<512x128xf32, #tpu.memory_space<vmem>>, vector<512x128xf32>
    %dot_general3A = arith.constant dense<0.000000e+00> : vector<2048x128xf32>
    %dot_general3A_5 = tpu.matmul %get3A_1, %get3A_4, %dot_general3A {dimension_numbers = #tpu.dot_dimension_numbers<[1], [0], [0], [1], [0, 0, 1, 1], [], []>, transpose_lhs_hint = false} : vector<2048x512xf32>, vector<512x128xf32>, vector<2048x128xf32> -> vector<2048x128xf32>
    %swap3A = arith.constant 0 : index
    %swap3A_6 = arith.constant 0 : index
    %swap3A_7 = vector.load %arg3[%swap3A, %swap3A_6] : memref<2048x128xf32, #tpu.memory_space<vmem>>, vector<2048x128xf32>
    tpu.vector_store %arg3[%swap3A, %swap3A_6], %dot_general3A_5 {strides = array<i32>} : memref<2048x128xf32, #tpu.memory_space<vmem>>, vector<2048x128xf32>,
    %get3A_8 = arith.constant 0 : index
    %get3A_9 = arith.constant 0 : index
    %get3A_10 = vector.load %arg2[%get3A_8, %get3A_9] : memref<512x128xf32, #tpu.memory_space<vmem>>, vector<512x128xf32>
    %dot_general3A_11 = arith.constant dense<0.000000e+00> : vector<2048x128xf32>
    %dot_general3A_12 = tpu.matmul %get3A_1, %get3A_10, %dot_general3A_11 {dimension_numbers = #tpu.dot_dimension_numbers<[1], [0], [0], [1], [0, 0, 1, 1], [], []>, transpose_lhs_hint = false} : vector<2048x512xf32>, vector<512x128xf32>, vector<2048x128xf32> -> vector<2048x128xf32>
    %swap3A_13 = arith.constant 0 : index
    %swap3A_14 = arith.constant 0 : index
    %swap3A_15 = vector.load %arg4[%swap3A_13, %swap3A_14] : memref<2048x128xf32, #tpu.memory_space<vmem>>, vector<2048x128xf32>
    tpu.vector_store %arg4[%swap3A_13, %swap3A_14], %dot_general3A_12 {strides = array<i32>} : memref<2048x128xf32, #tpu.memory_space<vmem>>, vector<2048x128xf32>,
    return
  }
}

module attributes {stable_mosaic.version = 14 : i64} {
  func.func @_edge_body(%arg0: i32, %arg1: memref<4096x128xf32, #tpu.memory_space<vmem>>, %arg2: memref<128x3xf32, #tpu.memory_space<vmem>>, %arg3: memref<1x3xf32, #tpu.memory_space<vmem>>, %arg4: memref<4096x3xf32, #tpu.memory_space<vmem>>, %arg5: memref<4096x3xf32, #tpu.memory_space<vmem>>) attributes {dimension_semantics = [#tpu.dimension_semantics<arbitrary>], iteration_bounds = array<i64: 49>, scalar_prefetch = 0 : i64, scratch_operands = 0 : i64, tpu.core_type = #tpu.core_type<tc>, window_params = [{transform_indices = @transform_0, window_bounds = array<i64: 4096, 128>}, {pipeline_mode = #tpu.pipeline_mode<synchronous>, transform_indices = @transform_1, window_bounds = array<i64: 128, 3>}, {pipeline_mode = #tpu.pipeline_mode<synchronous>, transform_indices = @transform_2, window_bounds = array<i64: 1, 3>}, {transform_indices = @transform_3, window_bounds = array<i64: 4096, 3>}, {transform_indices = @transform_4, window_bounds = array<i64: 4096, 3>}]} {
    %get3A = arith.constant 0 : index
    %get3A_0 = arith.constant 0 : index
    %get3A_1 = vector.load %arg1[%get3A, %get3A_0] : memref<4096x128xf32, #tpu.memory_space<vmem>>, vector<4096x128xf32>
    %max3A = arith.constant 0.000000e+00 : f32
    %max3A_2 = vector.broadcast %max3A : f32 to vector<4096x128xf32>
    %max3A_3 = arith.maximumf %get3A_1, %max3A_2 : vector<4096x128xf32>
    %abs3A = math.absf %get3A_1 : vector<4096x128xf32>
    %neg3A = arith.constant 0.000000e+00 : f32
    %neg3A_4 = vector.broadcast %neg3A : f32 to vector<4096x128xf32>
    %neg3A_5 = arith.subf %neg3A_4, %abs3A : vector<4096x128xf32>
    %exp3A = math.exp %neg3A_5 : vector<4096x128xf32>
    %log1p3A = math.log1p %exp3A : vector<4096x128xf32>
    %add3A = arith.addf %max3A_3, %log1p3A : vector<4096x128xf32>
    %get3A_6 = arith.constant 0 : index
    %get3A_7 = arith.constant 0 : index
    %get3A_8 = vector.load %arg2[%get3A_6, %get3A_7] : memref<128x3xf32, #tpu.memory_space<vmem>>, vector<128x3xf32>
    %dot_general3A = arith.constant dense<0.000000e+00> : vector<4096x3xf32>
    %dot_general3A_9 = tpu.matmul %add3A, %get3A_8, %dot_general3A {dimension_numbers = #tpu.dot_dimension_numbers<[1], [0], [0], [1], [0, 0, 1, 1], [], []>, transpose_lhs_hint = false} : vector<4096x128xf32>, vector<128x3xf32>, vector<4096x3xf32> -> vector<4096x3xf32>
    %get3A_10 = arith.constant 0 : index
    %get3A_11 = arith.constant 0 : index
    %get3A_12 = vector.load %arg3[%get3A_10, %get3A_11] : memref<1x3xf32, #tpu.memory_space<vmem>>, vector<1x3xf32>
    %add3A_13 = vector.broadcast %get3A_12 : vector<1x3xf32> to vector<4096x3xf32>
    %add3A_14 = arith.addf %dot_general3A_9, %add3A_13 : vector<4096x3xf32>
    %reduce_max3A = arith.constant dense<0xFF800000> : vector<4096xf32>
    %reduce_max3A_15 = vector.multi_reduction <maximumf>, %add3A_14, %reduce_max3A [1] : vector<4096x3xf32> to vector<4096xf32>
    %broadcast_in_dim3A = vector.shape_cast %reduce_max3A_15 : vector<4096xf32> to vector<4096x1xf32>
    %sub3A = vector.broadcast %broadcast_in_dim3A : vector<4096x1xf32> to vector<4096x3xf32>
    %sub3A_16 = arith.subf %add3A_14, %sub3A : vector<4096x3xf32>
    %exp3A_17 = math.exp %sub3A_16 : vector<4096x3xf32>
    %reduce_sum3A = arith.constant dense<0.000000e+00> : vector<4096xf32>
    %reduce_sum3A_18 = vector.multi_reduction <add>, %exp3A_17, %reduce_sum3A [1] : vector<4096x3xf32> to vector<4096xf32>
    %broadcast_in_dim3A_19 = vector.shape_cast %reduce_sum3A_18 : vector<4096xf32> to vector<4096x1xf32>
    %div3A = vector.broadcast %broadcast_in_dim3A_19 : vector<4096x1xf32> to vector<4096x3xf32>
    %div3A_20 = arith.divf %exp3A_17, %div3A : vector<4096x3xf32>
    %swap3A = arith.constant 0 : index
    %swap3A_21 = arith.constant 0 : index
    %swap3A_22 = vector.load %arg4[%swap3A, %swap3A_21] : memref<4096x3xf32, #tpu.memory_space<vmem>>, vector<4096x3xf32>
    tpu.vector_store %arg4[%swap3A, %swap3A_21], %div3A_20 {strides = array<i32>} : memref<4096x3xf32, #tpu.memory_space<vmem>>, vector<4096x3xf32>,
    %reduce_max3A_23 = arith.constant dense<0xFF800000> : vector<4096xf32>
    %reduce_max3A_24 = vector.multi_reduction <maximumf>, %div3A_20, %reduce_max3A_23 [1] : vector<4096x3xf32> to vector<4096xf32>
    %broadcast_in_dim3A_25 = vector.shape_cast %reduce_max3A_24 : vector<4096xf32> to vector<4096x1xf32>
    %slice3A = vector.extract_strided_slice %div3A_20 {offsets = [0, 0], sizes = [4096, 1], strides = [1, 1]} : vector<4096x3xf32> to vector<4096x1xf32>
    %eq3A = arith.cmpf oeq, %slice3A, %broadcast_in_dim3A_25 : vector<4096x1xf32>
    %convert_element_type3A = arith.extui %eq3A : vector<4096x1xi1> to vector<4096x1xi32>
    %convert_element_type3A_26 = arith.sitofp %convert_element_type3A : vector<4096x1xi32> to vector<4096x1xf32>
    %slice3A_27 = vector.extract_strided_slice %div3A_20 {offsets = [0, 1], sizes = [4096, 1], strides = [1, 1]} : vector<4096x3xf32> to vector<4096x1xf32>
    %eq3A_28 = arith.cmpf oeq, %slice3A_27, %broadcast_in_dim3A_25 : vector<4096x1xf32>
    %convert_element_type3A_29 = arith.extui %eq3A_28 : vector<4096x1xi1> to vector<4096x1xi32>
    %convert_element_type3A_30 = arith.sitofp %convert_element_type3A_29 : vector<4096x1xi32> to vector<4096x1xf32>
    %sub3A_31 = arith.constant 1.000000e+00 : f32
    %sub3A_32 = vector.broadcast %sub3A_31 : f32 to vector<4096x1xf32>
    %sub3A_33 = arith.subf %sub3A_32, %convert_element_type3A_26 : vector<4096x1xf32>
    %mul3A = arith.mulf %convert_element_type3A_30, %sub3A_33 : vector<4096x1xf32>
    %slice3A_34 = vector.extract_strided_slice %div3A_20 {offsets = [0, 2], sizes = [4096, 1], strides = [1, 1]} : vector<4096x3xf32> to vector<4096x1xf32>
    %eq3A_35 = arith.cmpf oeq, %slice3A_34, %broadcast_in_dim3A_25 : vector<4096x1xf32>
    %convert_element_type3A_36 = arith.extui %eq3A_35 : vector<4096x1xi1> to vector<4096x1xi32>
    %convert_element_type3A_37 = arith.sitofp %convert_element_type3A_36 : vector<4096x1xi32> to vector<4096x1xf32>
    %sub3A_38 = arith.constant 1.000000e+00 : f32
    %sub3A_39 = vector.broadcast %sub3A_38 : f32 to vector<4096x1xf32>
    %sub3A_40 = arith.subf %sub3A_39, %convert_element_type3A_26 : vector<4096x1xf32>
    %mul3A_41 = arith.mulf %convert_element_type3A_37, %sub3A_40 : vector<4096x1xf32>
    %sub3A_42 = arith.constant 1.000000e+00 : f32
    %sub3A_43 = vector.broadcast %sub3A_42 : f32 to vector<4096x1xf32>
    %sub3A_44 = arith.subf %sub3A_43, %mul3A : vector<4096x1xf32>
    %mul3A_45 = arith.mulf %mul3A_41, %sub3A_44 : vector<4096x1xf32>
    %concatenate3A = tpu.concatenate %convert_element_type3A_26, %mul3A, %mul3A_45 in 1 : vector<4096x1xf32>, vector<4096x1xf32>, vector<4096x1xf32> -> vector<4096x3xf32>
    %swap3A_46 = arith.constant 0 : index
    %swap3A_47 = arith.constant 0 : index
    %swap3A_48 = vector.load %arg5[%swap3A_46, %swap3A_47] : memref<4096x3xf32, #tpu.memory_space<vmem>>, vector<4096x3xf32>
    tpu.vector_store %arg5[%swap3A_46, %swap3A_47], %concatenate3A {strides = array<i32>} : memref<4096x3xf32, #tpu.memory_space<vmem>>, vector<4096x3xf32>,
    return
  }
  func.func @transform_0(%arg0: i32) -> (i32, i32) {
    %c0_i32 = arith.constant 0 : i32
    %c0_i32_0 = arith.constant 0 : i32
    return %arg0, %c0_i32 : i32, i32
  }
  func.func @transform_1(%arg0: i32) -> (i32, i32) {
    %c0_i32 = arith.constant 0 : i32
    %c0_i32_0 = arith.constant 0 : i32
    %c0_i32_1 = arith.constant 0 : i32
    return %c0_i32, %c0_i32_0 : i32, i32
  }
  func.func @transform_2(%arg0: i32) -> (i32, i32) {
    %c0_i32 = arith.constant 0 : i32
    %c0_i32_0 = arith.constant 0 : i32
    %c0_i32_1 = arith.constant 0 : i32
    return %c0_i32, %c0_i32_0 : i32, i32
  }
  func.func @transform_3(%arg0: i32) -> (i32, i32) {
    %c0_i32 = arith.constant 0 : i32
    %c0_i32_0 = arith.constant 0 : i32
    return %arg0, %c0_i32 : i32, i32
  }
  func.func @transform_4(%arg0: i32) -> (i32, i32) {
    %c0_i32 = arith.constant 0 : i32
    %c0_i32_0 = arith.constant 0 : i32
    return %arg0, %c0_i32 : i32, i32
  }
}

</mosaic_0001>

<sc_bundles>
// kernel: kernel.6.cloned.1.call-start
scs
__scs_entry_jumppad:
0x0: {  	(pc) =	sbr.rel $0x88, $3  }
0x1: {  	(tag) =	ssettag $0x0;
	lr =	simm.s32 $0x1  }
0x2: {  	[smem:$0x3F90] =	sst lr;
	_ =	strace $0xD0000000  }
0x3: {  	_ = 	snop  }
0x4: {  	_ = 	snop  }
0x5: {  	_ = 	snop  }
0x6: {  	_ = 	snop  }
0x7: {  	_ = 	snop  }
__scs_overlays_trampoline_lowered:
0x8: {  	[smem:$0x3F9F] =	sst s0  }
0x9: {  	[smem:$0x3FA0] =	sst s1  }
0xa: {  	[smem:$0x3FA1] =	sst s2  }
0xb: {  	[smem:$0x3FA2] =	sst s3  }
0xc: {  	[smem:$0x3FA3] =	sst s4  }
0xd: {  	[smem:$0x3FA4] =	sst s5  }
0xe: {  	[smem:$0x3FA5] =	sst s6  }
0xf: {  	[smem:$0x3FA6] =	sst s7  }
0x10: {  	[smem:$0x3FA7] =	sst s8  }
0x11: {  	[smem:$0x3FA8] =	sst s9;
	s0 =	simm.s32 @!p0 $0x0  }
0x12: {  	s1 =	sld [smem:$0x3F8E];
	s0 =	simm.s32 @p0 $0x1  }
0x13: {  	[smem:$0x3FA9] =	sst s0;
	s0 =	simm.s32 @!p1 $0x0  }
0x14: {  	s2 =	sld [smem:$0x3F8D];
	s0 =	simm.s32 @p1 $0x1  }
0x15: {  	[smem:$0x3FAA] =	sst s0;
	s0 =	simm.s32 @!p2 $0x0  }
0x16: {  	s3 =	sld [smem:$0x3FDB];
	s0 =	simm.s32 @p2 $0x1  }
0x17: {  	s4 =	simm.s32 $0x1BF5;
	[smem:$0x3FAC] =	sst s0  }
0x18: {  	s0 =	sld [smem:$0x3F8F];
	_ =	swait.ge [sflag:s4], $0x0  }
0x19: {  	s7 =	sld [smem:$0x3F90]  }
0x1a: {  	s8 =	sadd.s32 $0xFFFFE003, lr  }
0x1b: {  	s9 =	sadd.s32 $0xFFFFFEF7, lr;
	s5 =	simm.s32 $0xFFFFFFFF;
	p2 =	slt.u32 s8, $0xFFFFF086  }
0x1c: {  	p1 =	slt.u32 s9, $0xF7A;
	s5 =	simm.s32 @!p2 $0x0  }
0x1d: {  	s5 =	simm.s32 @p1 $0x1;
	p0 =	seq.s32 s7, s2  }
0x1e: {  	s7 =	smul.u32 @!p0 $0xF7A, s2;
	p2 =	seq.s32 @!p0 s5, $0x0  }
0x1f: {  	s9 =	smul.u32 $0xF7A, s1;
	s8 =	simm.s32 @!p0 $0x1BF5;
	p2 =	por !p2, p0  }
0x20: {  	[sflag:s8] =	ssyncset.s32 @!p0 $0xFFFFF086;
	s6 =	sadd.s32 @!p0 s3, s7;
	s7 =	simm.s32 @!p0 $0x108  }
0x21: {  	s3 =	sadd.s32 s3, s9;
	s6 =	sadd.s32 @!p0 $0x88, s6;
	s7 =	simm.s32 @p2 $0x1082  }
0x22: {  	[simem:s7], [sflag:s8] =	dma.local @!p0 [hbm:s6], $0xF7A  }
0x23: {  	s9 =	sor.u32 $0xD0000000, s2;
	s6 =	simm.s32 $0x108;
	_ =	swait.ge @!p0 [sflag:s8], $0x0  }
0x24: {  	s3 =	sadd.s32 $0x88, s3;
	s6 =	simm.s32 @!p1 $0x1082;
	[sflag:s4] =	ssyncset.s32 $0xFFFFF086  }
0x25: {  	[simem:s6], [sflag:s4] =	dma.local [hbm:s3], $0xF7A  }
0x26: {  	[smem:$0x3F90] =	sst s1;
	(tag) =	ssettag s2;
	_ =	strace s9  }
0x27: {  	s1 =	sld [smem:$0x3FA0]  }
0x28: {  	s2 =	sld [smem:$0x3FA1]  }
0x29: {  	s4 =	sld [smem:$0x3FA3]  }
0x2a: {  	p0 =	seq.s32 s5, $0x0;
	s5 =	sld [smem:$0x3FA4]  }
0x2b: {  	s6 =	sld [smem:$0x3FA5]  }
0x2c: {  	s7 =	sld [smem:$0x3FA6]  }
0x2d: {  	s3 =	simm.s32 $0x108;
	s8 =	sld [smem:$0x3FA7]  }
0x2e: {  	s3 =	simm.s32 @!p0 $0x1082;
	s9 =	sld [smem:$0x3FA8]  }
0x2f: {  	lr =	sadd.s32 s0, s3;
	s0 =	sld [smem:$0x3F9F]  }
0x30: {  	s3 =	sld [smem:$0x3FA2]  }
0x31: {  	[smem:$0x3FAB] =	sst s10  }
0x32: {  	s10 =	sld [smem:$0x3FA9];
	_ =	sdelay $0x3  }
0x33: {  	p0 =	seq.s32 s10, $0x1;
	s10 =	sld [smem:$0x3FAB];
	_ =	sdelay $0x3  }
0x34: {  	[smem:$0x3FAB] =	sst s10  }
0x35: {  	s10 =	sld [smem:$0x3FAA];
	_ =	sdelay $0x3  }
0x36: {  	p1 =	seq.s32 s10, $0x1;
	s10 =	sld [smem:$0x3FAB];
	_ =	sdelay $0x3  }
0x37: {  	[smem:$0x3FAB] =	sst s10  }
0x38: {  	s10 =	sld [smem:$0x3FAC]  }
0x39: {  	_ = 	snop;
	(pc) =	sbr.ind lr, $3  }
0x3a: {  	_ = 	snop  }
0x3b: {  	_ = 	snop  }
0x3c: {  	p2 =	seq.s32 s10, $0x1;
	s10 =	sld [smem:$0x3FAB]  }
0x3d: {  	_ =	shalt  }
0x3e: {  	_ =	shalt  }
0x3f: {  	_ =	shalt  }
0x40: {  	_ =	shalt  }
0x41: {  	_ =	shalt  }
0x42: {  	_ =	shalt  }
0x43: {  	_ =	shalt  }
0x44: {  	_ =	shalt  }
0x45: {  	_ =	shalt  }
0x46: {  	_ =	shalt  }
0x47: {  	_ =	shalt  }
0x48: {  	_ =	shalt  }
0x49: {  	_ =	shalt  }
0x4a: {  	_ =	shalt  }
0x4b: {  	_ =	shalt  }
0x4c: {  	_ =	shalt  }
0x4d: {  	_ =	shalt  }
0x4e: {  	_ =	shalt  }
0x4f: {  	_ =	shalt  }
0x50: {  	_ =	shalt  }
0x51: {  	_ =	shalt  }
0x52: {  	_ =	shalt  }
0x53: {  	_ =	shalt  }
0x54: {  	_ =	shalt  }
0x55: {  	_ =	shalt  }
0x56: {  	_ =	shalt  }
0x57: {  	_ =	shalt  }
0x58: {  	_ =	shalt  }
0x59: {  	_ =	shalt  }
0x5a: {  	_ =	shalt  }
0x5b: {  	_ =	shalt  }
0x5c: {  	_ =	shalt  }
0x5d: {  	_ =	shalt  }
0x5e: {  	_ =	shalt  }
0x5f: {  	_ =	shalt  }
0x60: {  	_ =	shalt  }
0x61: {  	_ =	shalt  }
0x62: {  	_ =	shalt  }
0x63: {  	_ =	shalt  }
0x64: {  	_ =	shalt  }
0x65: {  	_ =	shalt  }
0x66: {  	_ =	shalt  }
0x67: {  	_ =	shalt  }
0x68: {  	_ =	shalt  }
0x69: {  	_ =	shalt  }
0x6a: {  	_ =	shalt  }
0x6b: {  	_ =	shalt  }
0x6c: {  	_ =	shalt  }
0x6d: {  	_ =	shalt  }
0x6e: {  	_ =	shalt  }
0x6f: {  	_ =	shalt  }
0x70: {  	_ =	shalt  }
0x71: {  	_ =	shalt  }
0x72: {  	_ =	shalt  }
0x73: {  	_ =	shalt  }
0x74: {  	_ =	shalt  }
0x75: {  	_ =	shalt  }
0x76: {  	_ =	shalt  }
0x77: {  	_ =	shalt  }
0x78: {  	_ =	shalt  }
0x79: {  	_ =	shalt  }
0x7a: {  	_ =	shalt  }
0x7b: {  	_ =	shalt  }
0x7c: {  	_ =	shalt  }
0x7d: {  	_ =	shalt  }
0x7e: {  	_ =	shalt  }
0x7f: {  	_ =	shalt  }
0x80: {  	_ =	shalt  }
0x81: {  	_ =	shalt  }
0x82: {  	_ =	shalt  }
0x83: {  	_ =	shalt  }
0x84: {  	_ =	shalt  }
0x85: {  	_ =	shalt  }
0x86: {  	_ =	shalt  }
0x87: {  	_ =	shalt  }
.Lfunc_end0:
.L_simem_size_0:
called_computation_lowered:
.L_overlay_start_0:
0x88: {  	s2 =	sld [smem:$0x3FD9]  }
0x89: {  	s3 =	sld [smem:$0x3FFE];
	_ =	sdelay $0x1  }
0x8a: {  	s1 =	srdreg.scid  }
0x8b: {  	s0 =	sand.u32 $0x1, s1  }
0x8c: {  	s14 =	sshll.u32 s0, $0xA;
	s2 =	sadd.s32 s3, s2  }
0x8d: {  	s2 =	sadd.s32 s2, s14  }
0x8e: {  	[smem:$0x3FB7] =	sst s2  }
0x8f: {  	_ = 	snop  }
0x90: {  	s2 =	sld [smem:$0x3FD0];
	_ =	sdelay $0x2  }
0x91: {  	s15 =	simm.s32 $0xA;
	s4 =	simm.s32 $0x10  }
0x92: {  	[smem:s4], [sflag:s15] =	dma.local [hbm:s2], $0x1  }
0x93: {  	_ =	swait.eq [sflag:s15], $0x1  }
0x94: {  	[sflag:s15] =	ssyncset.done $0x0  }
0x95: {  	s16 =	sld [smem:$0x10];
	[sflag:s15] =	ssyncadd.s32 $0xFFFFFFFF  }
0x96: {  	s17 =	sld [smem:$0x11];
	(tm) =	ssettm $0x1  }
0x97: {  	s18 =	sld [smem:$0x3FFB];
	_ =	sdelay $0x3  }
0x98: {  	_ =	strace s18  }
0x99: {  	s4 =	sld [smem:$0x3FFC];
	_ =	sdelay $0x3  }
0x9a: {  	_ =	strace s4  }
0x9b: {  	s4 =	sld [smem:$0x3FFD];
	_ =	sdelay $0x3  }
0x9c: {  	_ =	strace s4  }
0x9d: {  	_ =	strace $0x8FFFFFFF  }
0x9e: {  	s19 =	sld [smem:$0x3FDB];
	_ =	sdelay $0x1  }
0x9f: {  	s5 =	simm.s32 $_scs_section_size  }
0xa0: {  	s6 =	simm.s32 $_size__tile_overlayer_lowered;
	s7 =	simm.s32 $_tile_overlayer_lowered  }
0xa1: {  	s22 =	simm.s32 $0x1BFF;
	s21 =	sshll.u32 s7, $0x1;
	s4 =	sadd.s32 s5, s19  }
0xa2: {  	s8 =	simm.s32 $0x0;
	s20 =	sshll.u32 s6, $0x1;
	s6 =	sadd.s32 s21, s4  }
0xa3: {  	[timem:s8], [sflag:s22] =	dma.local [hbm:s6], s20  }
0xa4: {  	_ =	swait.ge [sflag:s22], s20  }
0xa5: {  	s5 =	ssub.s32 $0x0, s20;
	[sflag:s22] =	ssyncset.done $0x0  }
0xa6: {  	[sflag:s22] =	ssyncadd.s32 s5;
	_ =	sdelay $0x1  }
0xa7: {  	s23 =	simm.s32 $0x1B8B  }
0xa8: {  	_ =	swait.ge [sflag:s23], $0x1  }
0xa9: {  	[sflag:s23] =	ssyncset.done $0x0  }
0xaa: {  	s25 =	simm.s32 $0x1B8E;
	s24 =	sld [smem:$0x3FFE];
	[sflag:s23] =	ssyncadd.s32 $0xFFFFFFFF  }
0xab: {  	s26 =	simm.s32 $execute0_lowered;
	[smem:$0x3FD2] =	sst s25  }
0xac: {  	s6 =	sshll.u32 s26, $0x1;
	_ =	strace $0x80000046;
	[dreg:$0x1] =	wrdreg $0xFFFFFFFF  }
0xad: {  	s28 =	simm.s32 $_size_execute0_lowered;
	s4 =	sadd.s32 s4, s6;
	[dreg:$0x0] =	wrdreg $0x0  }
0xae: {  	s6 =	sshll.u32 s28, $0x1;
	[dreg:$0x2] =	wrdreg s4  }
0xaf: {  	[dreg:$0x3] =	wrdreg s6  }
0xb0: {  	[dreg:$0x4] =	wrdreg $0xC0  }
0xb1: {  	_ =	task [dreg:s8], $0x5FFFF  }
0xb2: {  	[dreg:$0x1] =	wrdreg $0xFFFFFFFF  }
0xb3: {  	[dreg:$0x0] =	wrdreg $0x60  }
0xb4: {  	[dreg:$0x2] =	wrdreg s17  }
0xb5: {  	[dreg:$0x3] =	wrdreg s16  }
0xb6: {  	[dreg:$0x4] =	wrdreg s24  }
0xb7: {  	[dreg:$0x5] =	wrdreg $0x9  }
0xb8: {  	_ =	task.clear_ibuf [dreg:s8], $0x6FFFF;
	_ =	strace $0x90000046  }
0xb9: {  	s29 =	simm.s32 $0x9;
	_ =	strace $0x80000048  }
0xba: {  	_ =	swait.ge [sflag:s29], $0x1  }
0xbb: {  	[sflag:s29] =	ssyncadd.s32 $0xFFFFFFFF  }
0xbc: {  	_ =	strace $0x90000048  }
0xbd: {  	_ =	sfence  }
0xbe: {  	s30 =	sld [smem:$0x0];
	_ =	sdelay $0x2  }
0xbf: {  	s31 =	sshll.u32 s1, $0xD;
	s1 =	sshrl.u32 s1, $0x2  }
0xc0: {  	s3 =	sand.u32 $0x4000, s31;
	s1 =	sadd.s32 s1, s30  }
0xc1: {  	s0 =	sor.u32 s3, s0;
	s1 =	sshll.u32 s1, $0x11  }
0xc2: {  	s0 =	sor.u32 s1, s0  }
0xc3: {  	s0 =	sadd.s32 $0x8F2B, s0  }
0xc4: {  	[sflag:s0] =	ssyncadd.remote.s32 $0x1  }
0xc5: {  	_ =	sfence.sel $0xFFFF  }
0xc6: {  	[dreg:$0x0] =	wrdreg $0xFFFFFFFF;
	(pc) =	sbr.abs _section_cstart, $3  }
0xc7: {  	[dreg:$0x1] =	wrdreg $0xFFFFFFFF  }
0xc8: {  	_ =	task.clear_ibuf [dreg:s8], $0x2FFFF;
	_ =	strace $0x9FFFFFFF  }
0xc9: {  	(tm) =	ssettm $0x7FFFFFFF  }
tec
execute0_lowered:
.L_overlay_start_1:
0x0: {  	(tag) =	ssettag $0x1  }
0x1: {  	s1 =	rddreg [dreg:$0x0]  }
0x2: {  	s2 =	rddreg [dreg:$0x1]  }
0x3: {  	s8 =	rddreg [dreg:$0x2]  }
0x4: {  	s0 =	rddreg [dreg:$0x3];
	s4 =	simm.s32 $0x0  }
0x5: {  	s5 =	srdreg.scid;
	s3 =	stileid.u32;
	s15 =	simm.s32 $0x80  }
0x6: {  	s16 =	simm.s32 $0x200;
	s17 =	simm.s32 $0x4200;
	s18 =	simm.s32 $0x100  }
0x7: {  	s19 =	simm.s32 $0x180;
	s20 =	simm.s32 $0x8200;
	s21 =	simm.s32 $0xC200  }
0x8: {  	s22 =	simm.s32 $0x1;
	s23 =	simm.s32 $0x2;
	s24 =	simm.s32 $0x0  }
0x9: {  	[smem:$0x7FF] =	sst s4;
	s6 =	sand.u32 $0x1, s5;
	s7 =	sshll.u32 s3, $0x1  }
0xa: {  	s5 =	sadd.s32 $0x8400, s8;
	_ =	strace $0x80000047;
	s10 =	sor.u32 s6, s7  }
0xb: {  	s9 =	ssub.s32 $0x2, s6;
	s6 =	sadd.s32 $0x2200, s8;
	s7 =	sshll.u32 s10, $0x7  }
0xc: {  	s8 =	sadd.s32 $0xE600, s8;
	s11 =	sshrl.u32 s9, $0x1;
	s31 =	sor.u32 $0x30000, s7  }
0xd: {  	s13 =	ssub.s32 s9, s11;
	s9 =	sor.u32 $0x20, s10;
	s12 =	sshrl.u32 s31, $0x3  }
0xe: {  	s14 =	sshll.u32 s31, $0x4;
	s13 =	smax.u32 s13, $0x1;
	s10 =	sadd.s32 s5, s12  }
0xf: {  	s11 =	sadd.s32 s6, s12;
	s12 =	sadd.s32 s8, s14;
	s14 =	simm.s32 $0x3  }
.LBB2_1:
0x10: {  	s25 =	simm.s32 $0x0  }
.LBB2_2:
0x11: {  	s26 =	sshll.u32 s25, $0xD  }
0x12: {  	s28 =	sor.u32 s7, s26  }
0x13: {  	s26 =	sshrl.u32 s28, $0x3  }
0x14: {  	s30 =	simm.s32 $0x0;
	s29 =	sadd.s32 s5, s26  }
0x15: {  	[tilespmem:s30], [sflag:$0x3] =	stream.linear.gather [hbm4b:s29+s30], $0x80, $0x38;
	[tilespmem:$0x10200] =	vst v63  }
0x16: {  	_ =	swait.ge [sflag:s14], $0x80  }
0x17: {  	[sflag:s14] =	ssyncset.done $0x0  }
0x18: {  	s26 =	sadd.s32 s6, s26;
	[sflag:s14] =	ssyncadd.s32 $0xFFFFFF80  }
0x19: {  	[tilespmem:s15], [sflag:$0x3] =	stream.linear.gather [hbm4b:s26+s30], $0x80, $0x38;
	[tilespmem:$0x10200] =	vst v63  }
0x1a: {  	s31 =	sshll.u32 s25, $0x6;
	_ =	swait.ge [sflag:s14], $0x80  }
0x1b: {  	s26 =	sor.u32 s9, s31;
	[sflag:s14] =	ssyncset.done $0x0  }
0x1c: {  	s29 =	sshll.u32 s26, $0x4;
	[sflag:s14] =	ssyncadd.s32 $0xFFFFFF80  }
0x1d: {  	[tilespmem:s16], [sflag:$0x1] =	stream.indirect.gather [hbm4b:s1+s15], $0x80, s30, s15, $0xb8;
	[tilespmem:$0x10200] =	vst v63  }
0x1e: {  	s29 =	sand.u32 $0x1FFFFFF0, s29  }
0x1f: {  	[tilespmem:s17], [sflag:$0x1] =	stream.indirect.gather [hbm4b:s2+s15], $0x80, s15, s15, $0xb8;
	[tilespmem:$0x10200] =	vst v63  }
0x20: {  	s31 =	sadd.s32 s5, s29  }
0x21: {  	[tilespmem:s18], [sflag:$0x3] =	stream.linear.gather [hbm4b:s31+s30], $0x80, $0x38;
	[tilespmem:$0x10200] =	vst v63  }
0x22: {  	_ =	swait.ge [sflag:s14], $0x80  }
0x23: {  	[sflag:s14] =	ssyncset.done $0x0  }
0x24: {  	s29 =	sadd.s32 s6, s29;
	[sflag:s14] =	ssyncadd.s32 $0xFFFFFF80  }
0x25: {  	[tilespmem:s19], [sflag:$0x3] =	stream.linear.gather [hbm4b:s29+s30], $0x80, $0x38;
	[tilespmem:$0x10200] =	vst v63  }
0x26: {  	_ =	swait.ge [sflag:s14], $0x80  }
0x27: {  	[sflag:s14] =	ssyncset.done $0x0  }
0x28: {  	[sflag:s14] =	ssyncadd.s32 $0xFFFFFF80  }
0x29: {  	[tilespmem:s20], [sflag:$0x2] =	stream.indirect.gather [hbm4b:s1+s15], $0x80, s18, s15, $0xb8;
	[tilespmem:$0x10200] =	vst v63  }
0x2a: {  	_ = 	snop  }
0x2b: {  	[tilespmem:s21], [sflag:$0x2] =	stream.indirect.gather [hbm4b:s2+s15], $0x80, s19, s15, $0xb8;
	[tilespmem:$0x10200] =	vst v63  }
0x2c: {  	_ =	swait.ge [sflag:s22], $0x4000  }
0x2d: {  	[sflag:s22] =	ssyncset.done $0x0  }
0x2e: {  	[sflag:s22] =	ssyncadd.s32 $0xFFFFC000  }
0x2f: {  	_ =	swait.ge [sflag:s22], $0x4000  }
0x30: {  	[sflag:s22] =	ssyncset.done $0x0  }
0x31: {  	s29 =	simm.s32 $0x0;
	[sflag:s22] =	ssyncadd.s32 $0xFFFFC000  }
0x32: {  	v7 =	vld [tilespmem:s29+$0x4200]  }
0x33: {  	v11 =	vld [tilespmem:s29+$0x4210]  }
0x34: {  	v5 =	vld [tilespmem:s29+$0x4220]  }
0x35: {  	v4 =	vld [tilespmem:s29+$0x4230]  }
0x36: {  	v3 =	vld [tilespmem:s29+$0x4240]  }
0x37: {  	v2 =	vld [tilespmem:s29+$0x4250]  }
0x38: {  	v1 =	vld [tilespmem:s29+$0x4260]  }
0x39: {  	v0 =	vld [tilespmem:s29+$0x4270]  }
0x3a: {  	v12 =	vld [tilespmem:s29+$0x200]  }
0x3b: {  	v13 =	vld [tilespmem:s29+$0x210]  }
0x3c: {  	v10 =	vld [tilespmem:s29+$0x220]  }
0x3d: {  	v9 =	vld [tilespmem:s29+$0x230]  }
0x3e: {  	v8 =	vld [tilespmem:s29+$0x240]  }
0x3f: {  	v6 =	vld [tilespmem:s29+$0x250];
	v12 =	vadd.f32 v7, v12  }
0x40: {  	s30 =	simm.s32 $0x200;
	v11 =	vadd.f32 v11, v13;
	v7 =	vld [tilespmem:s29+$0x260]  }
.LBB2_3:
0x41: {  	s31 =	sshra.s32 s30, $0x2;
	p0 =	sne.s32 s30, $0xFE00;
	[tilespmem:s29+$0x200] =	vst v12;
	v5 =	vadd.f32 v5, v10;
	v10 =	vld [tilespmem:s29+$0x270]  }
0x42: {  	v12 =	vld [tilespmem:s31+$0x4200];
	[tilespmem:s29+$0x210] =	vst v11;
	v4 =	vadd.f32 v4, v9  }
0x43: {  	v11 =	vld [tilespmem:s31+$0x4210];
	[tilespmem:s29+$0x220] =	vst v5;
	v3 =	vadd.f32 v3, v8  }
0x44: {  	v5 =	vld [tilespmem:s31+$0x4220];
	[tilespmem:s29+$0x230] =	vst v4;
	v2 =	vadd.f32 v2, v6  }
0x45: {  	v4 =	vld [tilespmem:s31+$0x4230];
	[tilespmem:s29+$0x240] =	vst v3;
	v1 =	vadd.f32 v1, v7  }
0x46: {  	v3 =	vld [tilespmem:s31+$0x4240];
	[tilespmem:s29+$0x250] =	vst v2;
	v0 =	vadd.f32 v0, v10  }
0x47: {  	v2 =	vld [tilespmem:s31+$0x4250];
	[tilespmem:s29+$0x260] =	vst v1  }
0x48: {  	v1 =	vld [tilespmem:s31+$0x4260];
	[tilespmem:s29+$0x270] =	vst v0;
	s29 =	smov.u32 s31  }
0x49: {  	v0 =	vld [tilespmem:s29+$0x4270]  }
0x4a: {  	v6 =	vld [tilespmem:s29+$0x200]  }
0x4b: {  	v7 =	vld [tilespmem:s29+$0x210]  }
.Ltmp0:
0x4c: {  	v10 =	vld [tilespmem:s29+$0x220];
	(pc) =	sbr.rel @p0 .LBB2_3-.Ltmp0, $4  }
0x4d: {  	v9 =	vld [tilespmem:s29+$0x230]  }
0x4e: {  	v8 =	vld [tilespmem:s29+$0x240]  }
0x4f: {  	v12 =	vadd.f32 v12, v6;
	v6 =	vld [tilespmem:s29+$0x250]  }
0x50: {  	s30 =	sadd.s32 $0x200, s30;
	v11 =	vadd.f32 v11, v7;
	v7 =	vld [tilespmem:s29+$0x260]  }
0x51: {  	[tilespmem:s29+$0x200] =	vst v12;
	v5 =	vadd.f32 v5, v10;
	v10 =	vld [tilespmem:s29+$0x270]  }
0x52: {  	[tilespmem:s29+$0x210] =	vst v11;
	v4 =	vadd.f32 v4, v9  }
0x53: {  	[tilespmem:s29+$0x220] =	vst v5;
	v3 =	vadd.f32 v3, v8  }
0x54: {  	[tilespmem:s29+$0x230] =	vst v4;
	v2 =	vadd.f32 v2, v6  }
0x55: {  	[tilespmem:s29+$0x240] =	vst v3;
	v1 =	vadd.f32 v1, v7  }
0x56: {  	[tilespmem:s29+$0x250] =	vst v2;
	v0 =	vadd.f32 v0, v10  }
0x57: {  	s28 =	sshll.u32 s28, $0x4;
	[tilespmem:s29+$0x260] =	vst v1  }
0x58: {  	s28 =	sadd.s32 s8, s28;
	[tilespmem:s29+$0x270] =	vst v0;
	s29 =	simm.s32 $0x0  }
0x59: {  	[hbm4b:s28+s29] =	stream.linear.scatter [tilespmem:s16], [sflag:$0x3], $0x4000, $0x38;
	[tilespmem:$0x10200] =	vst v63  }
0x5a: {  	_ =	swait.ge [sflag:s14], $0x4000  }
0x5b: {  	[sflag:s14] =	ssyncset.done $0x0  }
0x5c: {  	[sflag:s14] =	ssyncadd.s32 $0xFFFFC000  }
0x5d: {  	_ =	swait.ge [sflag:s23], $0x4000  }
0x5e: {  	[sflag:s23] =	ssyncset.done $0x0  }
0x5f: {  	[sflag:s23] =	ssyncadd.s32 $0xFFFFC000  }
0x60: {  	_ =	swait.ge [sflag:s23], $0x4000  }
0x61: {  	[sflag:s23] =	ssyncset.done $0x0  }
0x62: {  	s28 =	simm.s32 $0x0;
	[sflag:s23] =	ssyncadd.s32 $0xFFFFC000  }
0x63: {  	v7 =	vld [tilespmem:s28+$0xC200]  }
0x64: {  	v11 =	vld [tilespmem:s28+$0xC210]  }
0x65: {  	v5 =	vld [tilespmem:s28+$0xC220]  }
0x66: {  	v4 =	vld [tilespmem:s28+$0xC230]  }
0x67: {  	v3 =	vld [tilespmem:s28+$0xC240]  }
0x68: {  	v2 =	vld [tilespmem:s28+$0xC250]  }
0x69: {  	v1 =	vld [tilespmem:s28+$0xC260]  }
0x6a: {  	v0 =	vld [tilespmem:s28+$0xC270]  }
0x6b: {  	v12 =	vld [tilespmem:s28+$0x8200]  }
0x6c: {  	v13 =	vld [tilespmem:s28+$0x8210]  }
0x6d: {  	v10 =	vld [tilespmem:s28+$0x8220]  }
0x6e: {  	v9 =	vld [tilespmem:s28+$0x8230]  }
0x6f: {  	v8 =	vld [tilespmem:s28+$0x8240]  }
0x70: {  	v6 =	vld [tilespmem:s28+$0x8250];
	v12 =	vadd.f32 v7, v12  }
0x71: {  	s29 =	simm.s32 $0x200;
	v11 =	vadd.f32 v11, v13;
	v7 =	vld [tilespmem:s28+$0x8260]  }
.LBB2_5:
0x72: {  	s30 =	sshra.s32 s29, $0x2;
	p0 =	sne.s32 s29, $0xFE00;
	[tilespmem:s28+$0x8200] =	vst v12;
	v5 =	vadd.f32 v5, v10;
	v10 =	vld [tilespmem:s28+$0x8270]  }
0x73: {  	v12 =	vld [tilespmem:s30+$0xC200];
	[tilespmem:s28+$0x8210] =	vst v11;
	v4 =	vadd.f32 v4, v9  }
0x74: {  	v11 =	vld [tilespmem:s30+$0xC210];
	[tilespmem:s28+$0x8220] =	vst v5;
	v3 =	vadd.f32 v3, v8  }
0x75: {  	v5 =	vld [tilespmem:s30+$0xC220];
	[tilespmem:s28+$0x8230] =	vst v4;
	v2 =	vadd.f32 v2, v6  }
0x76: {  	v4 =	vld [tilespmem:s30+$0xC230];
	[tilespmem:s28+$0x8240] =	vst v3;
	v1 =	vadd.f32 v1, v7  }
0x77: {  	v3 =	vld [tilespmem:s30+$0xC240];
	[tilespmem:s28+$0x8250] =	vst v2;
	v0 =	vadd.f32 v0, v10  }
0x78: {  	v2 =	vld [tilespmem:s30+$0xC250];
	[tilespmem:s28+$0x8260] =	vst v1  }
0x79: {  	v1 =	vld [tilespmem:s30+$0xC260];
	[tilespmem:s28+$0x8270] =	vst v0;
	s28 =	smov.u32 s30  }
0x7a: {  	v0 =	vld [tilespmem:s28+$0xC270]  }
0x7b: {  	v6 =	vld [tilespmem:s28+$0x8200]  }
0x7c: {  	v7 =	vld [tilespmem:s28+$0x8210]  }
.Ltmp1:
0x7d: {  	v10 =	vld [tilespmem:s28+$0x8220];
	(pc) =	sbr.rel @p0 .LBB2_5-.Ltmp1, $4  }
0x7e: {  	v9 =	vld [tilespmem:s28+$0x8230]  }
0x7f: {  	v8 =	vld [tilespmem:s28+$0x8240]  }
0x80: {  	v12 =	vadd.f32 v12, v6;
	v6 =	vld [tilespmem:s28+$0x8250]  }
0x81: {  	s29 =	sadd.s32 $0x200, s29;
	v11 =	vadd.f32 v11, v7;
	v7 =	vld [tilespmem:s28+$0x8260]  }
0x82: {  	[tilespmem:s28+$0x8200] =	vst v12;
	v5 =	vadd.f32 v5, v10;
	v63 =	vld [tilespmem:s28+$0x8270]  }
0x83: {  	[tilespmem:s28+$0x8210] =	vst v11;
	v4 =	vadd.f32 v4, v9  }
0x84: {  	[tilespmem:s28+$0x8220] =	vst v5;
	v3 =	vadd.f32 v3, v8  }
0x85: {  	[tilespmem:s28+$0x8230] =	vst v4;
	v2 =	vadd.f32 v2, v6  }
0x86: {  	[tilespmem:s28+$0x8240] =	vst v3;
	v1 =	vadd.f32 v1, v7  }
0x87: {  	s26 =	sshll.u32 s26, $0xB;
	s25 =	sadd.s32 $0x1, s25;
	[tilespmem:s28+$0x8250] =	vst v2;
	v0 =	vadd.f32 v0, v63  }
0x88: {  	s26 =	sand.u32 $0x1FFFF800, s26;
	p0 =	sne.s32 s25, $0x18;
	[tilespmem:s28+$0x8260] =	vst v1  }
.Ltmp2:
0x89: {  	s26 =	sadd.s32 s8, s26;
	[tilespmem:s28+$0x8270] =	vst v0;
	(pc) =	sbr.rel @p0 .LBB2_2-.Ltmp2, $4  }
0x8a: {  	[hbm4b:s26+s4] =	stream.linear.scatter [tilespmem:s20], [sflag:$0x3], $0x4000, $0x38;
	[tilespmem:$0x10200] =	vst v63  }
0x8b: {  	_ =	swait.ge [sflag:s14], $0x4000  }
0x8c: {  	[sflag:s14] =	ssyncset.done $0x0  }
0x8d: {  	[sflag:s14] =	ssyncadd.s32 $0xFFFFC000  }
0x8e: {  	s25 =	simm.s32 $0x0  }
0x8f: {  	[tilespmem:s25], [sflag:$0x3] =	stream.linear.gather [hbm4b:s10+s25], $0x80, $0x38;
	[tilespmem:$0x10200] =	vst v63  }
0x90: {  	_ =	swait.ge [sflag:s14], $0x80  }
0x91: {  	[sflag:s14] =	ssyncset.done $0x0  }
0x92: {  	[sflag:s14] =	ssyncadd.s32 $0xFFFFFF80  }
0x93: {  	[tilespmem:s15], [sflag:$0x3] =	stream.linear.gather [hbm4b:s11+s25], $0x80, $0x38;
	[tilespmem:$0x10200] =	vst v63  }
0x94: {  	_ =	swait.ge [sflag:s14], $0x80  }
0x95: {  	[sflag:s14] =	ssyncset.done $0x0  }
0x96: {  	[sflag:s14] =	ssyncadd.s32 $0xFFFFFF80  }
0x97: {  	[tilespmem:s16], [sflag:$0x1] =	stream.indirect.gather [hbm4b:s1+s15], $0x80, s25, s15, $0xb8;
	[tilespmem:$0x10200] =	vst v63  }
0x98: {  	_ = 	snop  }
0x99: {  	[tilespmem:s17], [sflag:$0x1] =	stream.indirect.gather [hbm4b:s2+s15], $0x80, s15, s15, $0xb8;
	[tilespmem:$0x10200] =	vst v63  }
0x9a: {  	_ =	swait.ge [sflag:s22], $0x4000  }
0x9b: {  	[sflag:s22] =	ssyncset.done $0x0  }
0x9c: {  	[sflag:s22] =	ssyncadd.s32 $0xFFFFC000  }
0x9d: {  	_ =	swait.ge [sflag:s22], $0x4000  }
0x9e: {  	[sflag:s22] =	ssyncset.done $0x0  }
0x9f: {  	s25 =	simm.s32 $0x0;
	[sflag:s22] =	ssyncadd.s32 $0xFFFFC000  }
0xa0: {  	v7 =	vld [tilespmem:s25+$0x4200]  }
0xa1: {  	v11 =	vld [tilespmem:s25+$0x4210]  }
0xa2: {  	v5 =	vld [tilespmem:s25+$0x4220]  }
0xa3: {  	v4 =	vld [tilespmem:s25+$0x4230]  }
0xa4: {  	v3 =	vld [tilespmem:s25+$0x4240]  }
0xa5: {  	v2 =	vld [tilespmem:s25+$0x4250]  }
0xa6: {  	v1 =	vld [tilespmem:s25+$0x4260]  }
0xa7: {  	v0 =	vld [tilespmem:s25+$0x4270]  }
0xa8: {  	v12 =	vld [tilespmem:s25+$0x200]  }
0xa9: {  	v13 =	vld [tilespmem:s25+$0x210]  }
0xaa: {  	v10 =	vld [tilespmem:s25+$0x220]  }
0xab: {  	v9 =	vld [tilespmem:s25+$0x230]  }
0xac: {  	v8 =	vld [tilespmem:s25+$0x240]  }
0xad: {  	v6 =	vld [tilespmem:s25+$0x250];
	v12 =	vadd.f32 v7, v12  }
0xae: {  	s26 =	simm.s32 $0x200;
	v11 =	vadd.f32 v11, v13;
	v7 =	vld [tilespmem:s25+$0x260]  }
.LBB2_8:
0xaf: {  	s28 =	sshra.s32 s26, $0x2;
	p0 =	sne.s32 s26, $0xFE00;
	[tilespmem:s25+$0x200] =	vst v12;
	v5 =	vadd.f32 v5, v10;
	v10 =	vld [tilespmem:s25+$0x270]  }
0xb0: {  	v12 =	vld [tilespmem:s28+$0x4200];
	[tilespmem:s25+$0x210] =	vst v11;
	v4 =	vadd.f32 v4, v9  }
0xb1: {  	v11 =	vld [tilespmem:s28+$0x4210];
	[tilespmem:s25+$0x220] =	vst v5;
	v3 =	vadd.f32 v3, v8  }
0xb2: {  	v5 =	vld [tilespmem:s28+$0x4220];
	[tilespmem:s25+$0x230] =	vst v4;
	v2 =	vadd.f32 v2, v6  }
0xb3: {  	v4 =	vld [tilespmem:s28+$0x4230];
	[tilespmem:s25+$0x240] =	vst v3;
	v1 =	vadd.f32 v1, v7  }
0xb4: {  	v3 =	vld [tilespmem:s28+$0x4240];
	[tilespmem:s25+$0x250] =	vst v2;
	v0 =	vadd.f32 v0, v10  }
0xb5: {  	v2 =	vld [tilespmem:s28+$0x4250];
	[tilespmem:s25+$0x260] =	vst v1  }
0xb6: {  	v1 =	vld [tilespmem:s28+$0x4260];
	[tilespmem:s25+$0x270] =	vst v0;
	s25 =	smov.u32 s28  }
0xb7: {  	v0 =	vld [tilespmem:s25+$0x4270]  }
0xb8: {  	v6 =	vld [tilespmem:s25+$0x200]  }
0xb9: {  	v7 =	vld [tilespmem:s25+$0x210]  }
.Ltmp3:
0xba: {  	v10 =	vld [tilespmem:s25+$0x220];
	(pc) =	sbr.rel @p0 .LBB2_8-.Ltmp3, $4  }
0xbb: {  	v9 =	vld [tilespmem:s25+$0x230]  }
0xbc: {  	v8 =	vld [tilespmem:s25+$0x240]  }
0xbd: {  	v12 =	vadd.f32 v12, v6;
	v6 =	vld [tilespmem:s25+$0x250]  }
0xbe: {  	s26 =	sadd.s32 $0x200, s26;
	v11 =	vadd.f32 v11, v7;
	v7 =	vld [tilespmem:s25+$0x260]  }
0xbf: {  	[tilespmem:s25+$0x200] =	vst v12;
	v5 =	vadd.f32 v5, v10;
	v63 =	vld [tilespmem:s25+$0x270]  }
0xc0: {  	[tilespmem:s25+$0x210] =	vst v11;
	v4 =	vadd.f32 v4, v9  }
0xc1: {  	[tilespmem:s25+$0x220] =	vst v5;
	v3 =	vadd.f32 v3, v8  }
0xc2: {  	[tilespmem:s25+$0x230] =	vst v4;
	v2 =	vadd.f32 v2, v6  }
0xc3: {  	[tilespmem:s25+$0x240] =	vst v3;
	v1 =	vadd.f32 v1, v7  }
0xc4: {  	s24 =	sadd.s32 $0x1, s24;
	[tilespmem:s25+$0x250] =	vst v2;
	v0 =	vadd.f32 v0, v63  }
0xc5: {  	p0 =	sne.s32 s24, s13;
	[tilespmem:s25+$0x260] =	vst v1  }
.Ltmp4:
0xc6: {  	[tilespmem:s25+$0x270] =	vst v0;
	(pc) =	sbr.rel @p0 .LBB2_1-.Ltmp4, $4  }
0xc7: {  	[hbm4b:s12+s4] =	stream.linear.scatter [tilespmem:s16], [sflag:$0x3], $0x4000, $0x38;
	[tilespmem:$0x10200] =	vst v63  }
0xc8: {  	_ =	swait.ge [sflag:s14], $0x4000  }
0xc9: {  	[sflag:s14] =	ssyncset.done $0x0  }
0xca: {  	[sflag:s14] =	ssyncadd.s32 $0xFFFFC000  }
0xcb: {  	_ =	sfence.sel $0x180000  }
0xcc: {  	[bflag:$0x0] =	sbarrier.arrive $0xFFFF  }
0xcd: {  	p0 =	sne.s32 s3, $0x0;
	_ =	strace $0x90000047  }
0xce: {  	s0 =	sadd.s32 @!p0 $0x100000, s0;
	[bflag:$0x2] =	sbarrier.arrive $0xFFFF  }
0xcf: {  	[sflag:s0] =	ssyncadd.tile.s32 @!p0 $0x1;
	_ =	shalt  }
.Lfunc_end2:
_tile_overlayer_lowered:
.L_overlay_start_2:
0xd0: {  	(tag) =	ssettag $0x2  }
0xd1: {  	s0 =	rddreg [dreg:$0x0];
	s2 =	stileid.u32  }
0xd2: {  	s1 =	rddreg [dreg:$0x1];
	p0 =	sne.s32 s2, $0x0  }
0xd3: {  	s3 =	rddreg [dreg:$0x2];
	[bflag:$0x3] =	sbarrier.arrive $0xFFFF;
	s2 =	simm.s32 @!p0 $0x1C03  }
0xd4: {  	[timem:s3], [sflag:s2] =	dma.local @!p0 [hbm:s0], s1  }
0xd5: {  	s0 =	simm.s32 @!p0 $0x3  }
0xd6: {  	_ =	swait.ge @!p0 [sflag:s0], s1  }
0xd7: {  	s1 =	ssub.s32 @!p0 $0x0, s1;
	[sflag:s0] =	ssyncset.done @!p0 $0x0  }
0xd8: {  	[sflag:s0] =	ssyncadd.s32 @!p0 s1  }
0xd9: {  	[bflag:$0x3] =	sbarrier.arrive $0xFFFF  }
0xda: {  	_ =	shalt  }

</sc_bundles>
